<compile_context>
chip_gen: v7x
topology: tpu7x:2x2x1
jax: 0.10.2.dev20260603
libtpu: 0.0.44.dev20260713+nightly
codegen_flags: <defaults>
</compile_context>

<pallas_src>
import functools

import jax
import jax.numpy as jnp
from jax import lax
from jax.experimental import pallas as pl
from jax.experimental.pallas import tpu as pltpu
from jax.experimental.pallas import tpu_sc as plsc

_ROWS = 64
_N = 4096
_LANES = 16
_NCHUNK = _N // _LANES
_UNROLL = 8
_NGROUP = _NCHUNK // _UNROLL
_NWORKERS = 32
_ROWS_PER_W = _ROWS // _NWORKERS
_HALF = _N // 2
_SENTINEL = -1e30

_mesh = plsc.VectorSubcoreMesh(core_axis_name="c", subcore_axis_name="s")


@functools.partial(
    pl.kernel,
    mesh=_mesh,
    compiler_params=pltpu.CompilerParams(needs_layout_passes=False,
                                         use_tc_tiling_on_sc=True,
                                         disable_bounds_checks=True),
    out_type=jax.ShapeDtypeStruct((_ROWS, _N), jnp.float32),
    scratch_types=[
        pltpu.VMEM((_N,), jnp.float32),
        pltpu.VMEM((_N,), jnp.float32),
        pltpu.VMEM((_N + _LANES,), jnp.float32),
        pltpu.VMEM((_N + _LANES,), jnp.int32),
        pltpu.VMEM((_N + _LANES,), jnp.float32),
        pltpu.VMEM((_N + _LANES,), jnp.float32),
        pltpu.SemaphoreType.DMA,
        pltpu.SemaphoreType.DMA,
        pltpu.SemaphoreType.DMA,
        pltpu.SemaphoreType.DMA,
        pltpu.SemaphoreType.DMA,
    ],
)
def _sparsemax_sc(x_hbm, out_hbm, row_v0, row_v1, comp_v, idx_v, out_v0,
                  out_v1, ld_sem0a, ld_sem0b, ld_sem1, st_sem0, st_sem1):
    wid = lax.axis_index("s") * 2 + lax.axis_index("c")
    row0 = wid * _ROWS_PER_W
    row1 = row0 + 1

    ld0a = pltpu.make_async_copy(x_hbm.at[row0, pl.ds(0, _HALF)],
                                 row_v0.at[pl.ds(0, _HALF)], ld_sem0a)
    ld0b = pltpu.make_async_copy(x_hbm.at[row0, pl.ds(_HALF, _HALF)],
                                 row_v0.at[pl.ds(_HALF, _HALF)], ld_sem0b)
    ld1 = pltpu.make_async_copy(x_hbm.at[row1], row_v1, ld_sem1)
    ld0a.start()
    ld0b.start()
    ld1.start()

    lane = lax.iota(jnp.int32, _LANES)
    zerof = jnp.zeros((_LANES,), jnp.float32)
    zeroi = jnp.zeros((_LANES,), jnp.int32)
    sentv = jnp.full((_LANES,), _SENTINEL, jnp.float32)

    def zero_body(i, carry):
        b = i * (_UNROLL * _LANES)
        for j in range(_UNROLL):
            s = pl.ds(b + j * _LANES, _LANES)
            out_v0[s] = zerof
            out_v1[s] = zerof
        return carry

    lax.fori_loop(0, _NGROUP, zero_body, jnp.int32(0))

    def row_max(row_v, lo_grp, hi_grp, accs):
        def max_body(i, accs):
            a0, a1 = accs
            b = i * (_UNROLL * _LANES)
            vs = [row_v[pl.ds(b + j * _LANES, _LANES)] for j in range(_UNROLL)]
            h = _UNROLL // 2
            for v in vs[:h]:
                a0 = jnp.maximum(a0, v)
            for v in vs[h:]:
                a1 = jnp.maximum(a1, v)
            return a0, a1

        return lax.fori_loop(lo_grp, hi_grp, max_body, accs)

    def process_row(row_v, out_v, mxv):
        def comp_body(i, off):
            b = i * (_UNROLL * _LANES)
            ys = [row_v[pl.ds(b + j * _LANES, _LANES)] - mxv
                  for j in range(_UNROLL)]
            ms = [y > -1.0 for y in ys]
            pcs = [plsc.all_reduce_population_count(m)[0] for m in ms]
            offs = []
            for j in range(_UNROLL):
                offs.append(off)
                off = off + pcs[j]
            for j in range(_UNROLL):
                plsc.store_compressed(comp_v.at[pl.ds(offs[j], _LANES)],
                                      ys[j], mask=ms[j])
                plsc.store_compressed(idx_v.at[pl.ds(offs[j], _LANES)],
                                      lane + (b + j * _LANES), mask=ms[j])
            return off

        mcount = lax.fori_loop(0, _NGROUP, comp_body, jnp.int32(0))
        comp_v[pl.ds(mcount, _LANES)] = sentv
        idx_v[pl.ds(mcount, _LANES)] = jnp.full((_LANES,), _N, jnp.int32)
        nch = lax.shift_right_logical(mcount + (_LANES - 1), 4)

        def sum_cnt(tv):
            def body(i, carry):
                ssum, cnt = carry
                v = comp_v[pl.ds(i * _LANES, _LANES)]
                act = v > tv
                return (ssum + jnp.where(act, v, 0.0),
                        cnt + jnp.where(act, 1, 0))

            return lax.fori_loop(0, nch, body, (zerof, zeroi))

        sv, cv = sum_cnt(jnp.full((_LANES,), -1.0, jnp.float32))
        k = jnp.sum(cv)
        tauv = (jnp.full((_LANES,), jnp.sum(sv) - 1.0, jnp.float32)
                / jnp.full((_LANES,), k, jnp.int32).astype(jnp.float32))

        def w_cond(carry):
            _, kprev, kcur = carry
            return kcur != kprev

        def w_body(carry):
            tv, _, kcur = carry
            sv, cv = sum_cnt(tv)
            k2 = jnp.sum(cv)
            tv2 = (jnp.full((_LANES,), jnp.sum(sv) - 1.0, jnp.float32)
                   / jnp.full((_LANES,), k2, jnp.int32).astype(jnp.float32))
            return tv2, kcur, k2

        tauv, _, _ = lax.while_loop(w_cond, w_body, (tauv, jnp.int32(-1), k))

        def out_body(i, carry):
            s = pl.ds(i * _LANES, _LANES)
            o = jnp.maximum(comp_v[s] - tauv, 0.0)
            plsc.store_scatter(out_v, [idx_v[s]], o)
            return carry

        lax.fori_loop(0, nch, out_body, jnp.int32(0))

    ld0a.wait()
    accs = row_max(row_v0, 0, _NGROUP // 2, (sentv, sentv))
    ld0b.wait()
    a0, a1 = row_max(row_v0, _NGROUP // 2, _NGROUP, accs)
    mxv0 = jnp.full((_LANES,), jnp.max(jnp.maximum(a0, a1)), jnp.float32)
    process_row(row_v0, out_v0, mxv0)
    st0 = pltpu.make_async_copy(out_v0.at[pl.ds(0, _N)], out_hbm.at[row0],
                                st_sem0)
    st0.start()

    ld1.wait()
    a0, a1 = row_max(row_v1, 0, _NGROUP, (sentv, sentv))
    mxv1 = jnp.full((_LANES,), jnp.max(jnp.maximum(a0, a1)), jnp.float32)
    process_row(row_v1, out_v1, mxv1)
    st1 = pltpu.make_async_copy(out_v1.at[pl.ds(0, _N)], out_hbm.at[row1],
                                st_sem1)
    st1.start()
    st0.wait()
    st1.wait()


def kernel(input):
    return _sparsemax_sc(input)

# --- scband reference (transcript-rebuilt; emitter-appended) ---
"""Pipeline reference for scband-sparsemax-23768349016088 (READ-ONLY COPY).

The authoritative reference and input builder live on the scoring server;
editing this copy changes nothing except your own understanding.
"""

import jax, jax.numpy as jnp
import numpy as np

DIM = -1

def setup_inputs(seed: int = 0) -> dict:
    key = jax.random.key(seed)
    x = jax.random.normal(key, (64, 4096), dtype=jnp.float32)
    return {"input": x}

def _sparsemax(x, dim):
    # subtract max for numerical stability (matches torch: input -= max_val)
    x = x - jnp.max(x, axis=dim, keepdims=True)
    # sort descending along dim
    srt = -jnp.sort(-x, axis=dim)
    cumsum = jnp.cumsum(srt, axis=dim) - 1.0
    d = x.shape[dim]
    rho = jnp.arange(1, d + 1, dtype=x.dtype)
    view = [1] * x.ndim
    ax = dim % x.ndim
    view[ax] = d
    rho = rho.reshape(view)
    support = rho * srt > cumsum
    supp_size = jnp.sum(support, axis=dim, keepdims=True).astype(jnp.int32)
    tau = jnp.take_along_axis(cumsum, supp_size - 1, axis=dim)
    tau = tau / supp_size.astype(x.dtype)
    return jnp.clip(x - tau, 0.0, None)

def reference(input) -> jnp.ndarray:
    return _sparsemax(input, DIM)

if __name__ == "__main__":
    import jax
    _d = setup_inputs()
    print(jax.jit(kernel)(*tuple(_d.values())))

</pallas_src>

<mosaic_0001>
#map = affine_map<(d0, d1) -> (0, 0)>
module attributes {stable_mosaic.version = 14 : i64} {
  func.func @_sparsemax_sc(%arg0: i32, %arg1: i32, %arg2: memref<64x4096xf32, #tpu.memory_space<hbm>>, %arg3: memref<64x4096xf32, #tpu.memory_space<hbm>>, %arg4: memref<4096xf32, #tpu.memory_space<vmem>>, %arg5: memref<4096xf32, #tpu.memory_space<vmem>>, %arg6: memref<4112xf32, #tpu.memory_space<vmem>>, %arg7: memref<4112xi32, #tpu.memory_space<vmem>>, %arg8: memref<4112xf32, #tpu.memory_space<vmem>>, %arg9: memref<4112xf32, #tpu.memory_space<vmem>>, %arg10: memref<!tpu.dma_semaphore, #tpu.memory_space<semaphore_mem>>, %arg11: memref<!tpu.dma_semaphore, #tpu.memory_space<semaphore_mem>>, %arg12: memref<!tpu.dma_semaphore, #tpu.memory_space<semaphore_mem>>, %arg13: memref<!tpu.dma_semaphore, #tpu.memory_space<semaphore_mem>>, %arg14: memref<!tpu.dma_semaphore, #tpu.memory_space<semaphore_mem>>) attributes {dimension_semantics = [#tpu.dimension_semantics<core_parallel>, #tpu.dimension_semantics<subcore_parallel>], iteration_bounds = array<i64: 2, 16>, scalar_prefetch = 0 : i64, scratch_operands = 11 : i64, tpu.core_type = #tpu.core_type<sc_vector_subcore>, window_params = [{transform_indices = #map}, {transform_indices = #map}]} {
    %mul3A = arith.constant 2 : i32
    %mul3A_0 = arith.muli %arg1, %mul3A : i32
    %add3A = arith.addi %mul3A_0, %arg0 : i32
    %mul3A_1 = arith.constant 2 : i32
    %mul3A_2 = arith.muli %add3A, %mul3A_1 : i32
    %add3A_3 = arith.constant 1 : i32
    %add3A_4 = arith.addi %mul3A_2, %add3A_3 : i32
    %dma_start3A = arith.constant 0 : i32
    %dma_start3A_5 = tpu.memref_slice %arg4[%dma_start3A] : memref<4096xf32, #tpu.memory_space<vmem>> -> memref<2048xf32, #tpu.memory_space<vmem>>
    %dma_start3A_6 = arith.constant 0 : i32
    %dma_start3A_7 = tpu.memref_slice %arg2[%mul3A_2, %dma_start3A_6] : memref<64x4096xf32, #tpu.memory_space<hbm>> -> memref<1x2048xf32, #tpu.memory_space<hbm>>
    %dma_start3A_8 = tpu.memref_squeeze %dma_start3A_7 : memref<1x2048xf32, #tpu.memory_space<hbm>> -> memref<2048xf32, #tpu.memory_space<hbm>>
    %dma_start3A_9 = arith.constant 0 : i32
    %dma_start3A_10 = tpu.memref_slice %arg4[%dma_start3A_9] : memref<4096xf32, #tpu.memory_space<vmem>> -> memref<2048xf32, #tpu.memory_space<vmem>>
    %dma_start3A_11 = arith.constant 0 : i32
    %dma_start3A_12 = tpu.memref_slice %arg2[%mul3A_2, %dma_start3A_11] : memref<64x4096xf32, #tpu.memory_space<hbm>> -> memref<1x2048xf32, #tpu.memory_space<hbm>>
    %dma_start3A_13 = tpu.memref_squeeze %dma_start3A_12 : memref<1x2048xf32, #tpu.memory_space<hbm>> -> memref<2048xf32, #tpu.memory_space<hbm>>
    tpu.enqueue_dma source(%dma_start3A_13 : memref<2048xf32, #tpu.memory_space<hbm>>) target(%dma_start3A_10 : memref<2048xf32, #tpu.memory_space<vmem>>) target_semaphore(%arg10 : memref<!tpu.dma_semaphore, #tpu.memory_space<semaphore_mem>>)
    %dma_start3A_14 = arith.constant 2048 : i32
    %dma_start3A_15 = tpu.memref_slice %arg4[%dma_start3A_14] : memref<4096xf32, #tpu.memory_space<vmem>> -> memref<2048xf32, #tpu.memory_space<vmem>>
    %dma_start3A_16 = arith.constant 2048 : i32
    %dma_start3A_17 = tpu.memref_slice %arg2[%mul3A_2, %dma_start3A_16] : memref<64x4096xf32, #tpu.memory_space<hbm>> -> memref<1x2048xf32, #tpu.memory_space<hbm>>
    %dma_start3A_18 = tpu.memref_squeeze %dma_start3A_17 : memref<1x2048xf32, #tpu.memory_space<hbm>> -> memref<2048xf32, #tpu.memory_space<hbm>>
    %dma_start3A_19 = arith.constant 2048 : i32
    %dma_start3A_20 = tpu.memref_slice %arg4[%dma_start3A_19] : memref<4096xf32, #tpu.memory_space<vmem>> -> memref<2048xf32, #tpu.memory_space<vmem>>
    %dma_start3A_21 = arith.constant 2048 : i32
    %dma_start3A_22 = tpu.memref_slice %arg2[%mul3A_2, %dma_start3A_21] : memref<64x4096xf32, #tpu.memory_space<hbm>> -> memref<1x2048xf32, #tpu.memory_space<hbm>>
    %dma_start3A_23 = tpu.memref_squeeze %dma_start3A_22 : memref<1x2048xf32, #tpu.memory_space<hbm>> -> memref<2048xf32, #tpu.memory_space<hbm>>
    tpu.enqueue_dma source(%dma_start3A_23 : memref<2048xf32, #tpu.memory_space<hbm>>) target(%dma_start3A_20 : memref<2048xf32, #tpu.memory_space<vmem>>) target_semaphore(%arg11 : memref<!tpu.dma_semaphore, #tpu.memory_space<semaphore_mem>>)
    %dma_start3A_24 = arith.constant 0 : i32
    %dma_start3A_25 = tpu.memref_slice %arg2[%add3A_4, %dma_start3A_24] : memref<64x4096xf32, #tpu.memory_space<hbm>> -> memref<1x4096xf32, #tpu.memory_space<hbm>>
    %dma_start3A_26 = tpu.memref_squeeze %dma_start3A_25 : memref<1x4096xf32, #tpu.memory_space<hbm>> -> memref<4096xf32, #tpu.memory_space<hbm>>
    %dma_start3A_27 = arith.constant 0 : i32
    %dma_start3A_28 = tpu.memref_slice %arg2[%add3A_4, %dma_start3A_27] : memref<64x4096xf32, #tpu.memory_space<hbm>> -> memref<1x4096xf32, #tpu.memory_space<hbm>>
    %dma_start3A_29 = tpu.memref_squeeze %dma_start3A_28 : memref<1x4096xf32, #tpu.memory_space<hbm>> -> memref<4096xf32, #tpu.memory_space<hbm>>
    tpu.enqueue_dma source(%dma_start3A_29 : memref<4096xf32, #tpu.memory_space<hbm>>) target(%arg5 : memref<4096xf32, #tpu.memory_space<vmem>>) target_semaphore(%arg12 : memref<!tpu.dma_semaphore, #tpu.memory_space<semaphore_mem>>)
    %iota3A = tpu.iota {dimensions = array<i32: 0>} : vector<16xi32>
    %broadcast_in_dim3A = arith.constant 0.000000e+00 : f32
    %broadcast_in_dim3A_30 = vector.broadcast %broadcast_in_dim3A : f32 to vector<16xf32>
    %broadcast_in_dim3A_31 = arith.constant 0 : i32
    %broadcast_in_dim3A_32 = vector.broadcast %broadcast_in_dim3A_31 : i32 to vector<16xi32>
    %broadcast_in_dim3A_33 = arith.constant -1.000000e+30 : f32
    %broadcast_in_dim3A_34 = vector.broadcast %broadcast_in_dim3A_33 : f32 to vector<16xf32>
    %scan3A = arith.constant 0 : i32
    %scan3A_35 = arith.constant 0 : i32
    %scan3A_36 = arith.constant 32 : i32
    %scan3A_37 = arith.addi %scan3A_35, %scan3A_36 : i32
    %scan3A_38 = arith.constant 1 : i32
    scf.for %scan3A_238 = %scan3A_35 to %scan3A_37 step %scan3A_38  : i32 {
      %mul3A_239 = arith.constant 128 : i32
      %mul3A_240 = arith.muli %scan3A_238, %mul3A_239 : i32
      %add3A_241 = arith.constant 0 : i32
      %add3A_242 = arith.addi %mul3A_240, %add3A_241 : i32
      %swap3A_243 = arith.index_cast %add3A_242 : i32 to index
      %swap3A_244 = tpu.vector_load %arg8[%swap3A_243] {strides = array<i32>} : memref<4112xf32, #tpu.memory_space<vmem>>, vector<16xf32>,
      tpu.vector_store %arg8[%swap3A_243], %broadcast_in_dim3A_30 {strides = array<i32>} : memref<4112xf32, #tpu.memory_space<vmem>>, vector<16xf32>,
      %swap3A_245 = arith.index_cast %add3A_242 : i32 to index
      %swap3A_246 = tpu.vector_load %arg9[%swap3A_245] {strides = array<i32>} : memref<4112xf32, #tpu.memory_space<vmem>>, vector<16xf32>,
      tpu.vector_store %arg9[%swap3A_245], %broadcast_in_dim3A_30 {strides = array<i32>} : memref<4112xf32, #tpu.memory_space<vmem>>, vector<16xf32>,
      %add3A_247 = arith.constant 16 : i32
      %add3A_248 = arith.addi %mul3A_240, %add3A_247 : i32
      %swap3A_249 = arith.index_cast %add3A_248 : i32 to index
      %swap3A_250 = tpu.vector_load %arg8[%swap3A_249] {strides = array<i32>} : memref<4112xf32, #tpu.memory_space<vmem>>, vector<16xf32>,
      tpu.vector_store %arg8[%swap3A_249], %broadcast_in_dim3A_30 {strides = array<i32>} : memref<4112xf32, #tpu.memory_space<vmem>>, vector<16xf32>,
      %swap3A_251 = arith.index_cast %add3A_248 : i32 to index
      %swap3A_252 = tpu.vector_load %arg9[%swap3A_251] {strides = array<i32>} : memref<4112xf32, #tpu.memory_space<vmem>>, vector<16xf32>,
      tpu.vector_store %arg9[%swap3A_251], %broadcast_in_dim3A_30 {strides = array<i32>} : memref<4112xf32, #tpu.memory_space<vmem>>, vector<16xf32>,
      %add3A_253 = arith.constant 32 : i32
      %add3A_254 = arith.addi %mul3A_240, %add3A_253 : i32
      %swap3A_255 = arith.index_cast %add3A_254 : i32 to index
      %swap3A_256 = tpu.vector_load %arg8[%swap3A_255] {strides = array<i32>} : memref<4112xf32, #tpu.memory_space<vmem>>, vector<16xf32>,
      tpu.vector_store %arg8[%swap3A_255], %broadcast_in_dim3A_30 {strides = array<i32>} : memref<4112xf32, #tpu.memory_space<vmem>>, vector<16xf32>,
      %swap3A_257 = arith.index_cast %add3A_254 : i32 to index
      %swap3A_258 = tpu.vector_load %arg9[%swap3A_257] {strides = array<i32>} : memref<4112xf32, #tpu.memory_space<vmem>>, vector<16xf32>,
      tpu.vector_store %arg9[%swap3A_257], %broadcast_in_dim3A_30 {strides = array<i32>} : memref<4112xf32, #tpu.memory_space<vmem>>, vector<16xf32>,
      %add3A_259 = arith.constant 48 : i32
      %add3A_260 = arith.addi %mul3A_240, %add3A_259 : i32
      %swap3A_261 = arith.index_cast %add3A_260 : i32 to index
      %swap3A_262 = tpu.vector_load %arg8[%swap3A_261] {strides = array<i32>} : memref<4112xf32, #tpu.memory_space<vmem>>, vector<16xf32>,
      tpu.vector_store %arg8[%swap3A_261], %broadcast_in_dim3A_30 {strides = array<i32>} : memref<4112xf32, #tpu.memory_space<vmem>>, vector<16xf32>,
      %swap3A_263 = arith.index_cast %add3A_260 : i32 to index
      %swap3A_264 = tpu.vector_load %arg9[%swap3A_263] {strides = array<i32>} : memref<4112xf32, #tpu.memory_space<vmem>>, vector<16xf32>,
      tpu.vector_store %arg9[%swap3A_263], %broadcast_in_dim3A_30 {strides = array<i32>} : memref<4112xf32, #tpu.memory_space<vmem>>, vector<16xf32>,
      %add3A_265 = arith.constant 64 : i32
      %add3A_266 = arith.addi %mul3A_240, %add3A_265 : i32
      %swap3A_267 = arith.index_cast %add3A_266 : i32 to index
      %swap3A_268 = tpu.vector_load %arg8[%swap3A_267] {strides = array<i32>} : memref<4112xf32, #tpu.memory_space<vmem>>, vector<16xf32>,
      tpu.vector_store %arg8[%swap3A_267], %broadcast_in_dim3A_30 {strides = array<i32>} : memref<4112xf32, #tpu.memory_space<vmem>>, vector<16xf32>,
      %swap3A_269 = arith.index_cast %add3A_266 : i32 to index
      %swap3A_270 = tpu.vector_load %arg9[%swap3A_269] {strides = array<i32>} : memref<4112xf32, #tpu.memory_space<vmem>>, vector<16xf32>,
      tpu.vector_store %arg9[%swap3A_269], %broadcast_in_dim3A_30 {strides = array<i32>} : memref<4112xf32, #tpu.memory_space<vmem>>, vector<16xf32>,
      %add3A_271 = arith.constant 80 : i32
      %add3A_272 = arith.addi %mul3A_240, %add3A_271 : i32
      %swap3A_273 = arith.index_cast %add3A_272 : i32 to index
      %swap3A_274 = tpu.vector_load %arg8[%swap3A_273] {strides = array<i32>} : memref<4112xf32, #tpu.memory_space<vmem>>, vector<16xf32>,
      tpu.vector_store %arg8[%swap3A_273], %broadcast_in_dim3A_30 {strides = array<i32>} : memref<4112xf32, #tpu.memory_space<vmem>>, vector<16xf32>,
      %swap3A_275 = arith.index_cast %add3A_272 : i32 to index
      %swap3A_276 = tpu.vector_load %arg9[%swap3A_275] {strides = array<i32>} : memref<4112xf32, #tpu.memory_space<vmem>>, vector<16xf32>,
      tpu.vector_store %arg9[%swap3A_275], %broadcast_in_dim3A_30 {strides = array<i32>} : memref<4112xf32, #tpu.memory_space<vmem>>, vector<16xf32>,
      %add3A_277 = arith.constant 96 : i32
      %add3A_278 = arith.addi %mul3A_240, %add3A_277 : i32
      %swap3A_279 = arith.index_cast %add3A_278 : i32 to index
      %swap3A_280 = tpu.vector_load %arg8[%swap3A_279] {strides = array<i32>} : memref<4112xf32, #tpu.memory_space<vmem>>, vector<16xf32>,
      tpu.vector_store %arg8[%swap3A_279], %broadcast_in_dim3A_30 {strides = array<i32>} : memref<4112xf32, #tpu.memory_space<vmem>>, vector<16xf32>,
      %swap3A_281 = arith.index_cast %add3A_278 : i32 to index
      %swap3A_282 = tpu.vector_load %arg9[%swap3A_281] {strides = array<i32>} : memref<4112xf32, #tpu.memory_space<vmem>>, vector<16xf32>,
      tpu.vector_store %arg9[%swap3A_281], %broadcast_in_dim3A_30 {strides = array<i32>} : memref<4112xf32, #tpu.memory_space<vmem>>, vector<16xf32>,
      %add3A_283 = arith.constant 112 : i32
      %add3A_284 = arith.addi %mul3A_240, %add3A_283 : i32
      %swap3A_285 = arith.index_cast %add3A_284 : i32 to index
      %swap3A_286 = tpu.vector_load %arg8[%swap3A_285] {strides = array<i32>} : memref<4112xf32, #tpu.memory_space<vmem>>, vector<16xf32>,
      tpu.vector_store %arg8[%swap3A_285], %broadcast_in_dim3A_30 {strides = array<i32>} : memref<4112xf32, #tpu.memory_space<vmem>>, vector<16xf32>,
      %swap3A_287 = arith.index_cast %add3A_284 : i32 to index
      %swap3A_288 = tpu.vector_load %arg9[%swap3A_287] {strides = array<i32>} : memref<4112xf32, #tpu.memory_space<vmem>>, vector<16xf32>,
      tpu.vector_store %arg9[%swap3A_287], %broadcast_in_dim3A_30 {strides = array<i32>} : memref<4112xf32, #tpu.memory_space<vmem>>, vector<16xf32>,
    }
    %scan3A_39 = arith.constant 32 : i32
    %dma_wait3A = arith.constant 0 : i32
    %dma_wait3A_40 = tpu.memref_slice %arg4[%dma_wait3A] : memref<4096xf32, #tpu.memory_space<vmem>> -> memref<2048xf32, #tpu.memory_space<vmem>>
    %dma_wait3A_41 = arith.constant 0 : i32
    %dma_wait3A_42 = tpu.memref_slice %arg2[%mul3A_2, %dma_wait3A_41] : memref<64x4096xf32, #tpu.memory_space<hbm>> -> memref<1x2048xf32, #tpu.memory_space<hbm>>
    %dma_wait3A_43 = tpu.memref_squeeze %dma_wait3A_42 : memref<1x2048xf32, #tpu.memory_space<hbm>> -> memref<2048xf32, #tpu.memory_space<hbm>>
    %dma_wait3A_44 = arith.constant 0 : i32
    %dma_wait3A_45 = tpu.memref_slice %arg4[%dma_wait3A_44] : memref<4096xf32, #tpu.memory_space<vmem>> -> memref<2048xf32, #tpu.memory_space<vmem>>
    %dma_wait3A_46 = arith.constant 0 : i32
    %dma_wait3A_47 = tpu.memref_slice %arg2[%mul3A_2, %dma_wait3A_46] : memref<64x4096xf32, #tpu.memory_space<hbm>> -> memref<1x2048xf32, #tpu.memory_space<hbm>>
    %dma_wait3A_48 = tpu.memref_squeeze %dma_wait3A_47 : memref<1x2048xf32, #tpu.memory_space<hbm>> -> memref<2048xf32, #tpu.memory_space<hbm>>
    tpu.wait_dma2 semaphore(%arg10 : memref<!tpu.dma_semaphore, #tpu.memory_space<semaphore_mem>>) src(%dma_wait3A_48 : memref<2048xf32, #tpu.memory_space<hbm>>) dst(%dma_wait3A_45 : memref<2048xf32, #tpu.memory_space<vmem>>)
    %scan3A_49 = arith.constant 0 : i32
    %scan3A_50 = arith.constant 16 : i32
    %scan3A_51 = arith.addi %scan3A_49, %scan3A_50 : i32
    %scan3A_52 = arith.constant 1 : i32
    %scan3A_53:2 = scf.for %scan3A_238 = %scan3A_49 to %scan3A_51 step %scan3A_52 iter_args(%scan3A_239 = %broadcast_in_dim3A_34, %scan3A_240 = %broadcast_in_dim3A_34) -> (vector<16xf32>, vector<16xf32>)  : i32 {
      %mul3A_241 = arith.constant 128 : i32
      %mul3A_242 = arith.muli %scan3A_238, %mul3A_241 : i32
      %add3A_243 = arith.constant 0 : i32
      %add3A_244 = arith.addi %mul3A_242, %add3A_243 : i32
      %get3A = arith.index_cast %add3A_244 : i32 to index
      %get3A_245 = tpu.vector_load %arg4[%get3A] {strides = array<i32>} : memref<4096xf32, #tpu.memory_space<vmem>>, vector<16xf32>,
      %add3A_246 = arith.constant 16 : i32
      %add3A_247 = arith.addi %mul3A_242, %add3A_246 : i32
      %get3A_248 = arith.index_cast %add3A_247 : i32 to index
      %get3A_249 = tpu.vector_load %arg4[%get3A_248] {strides = array<i32>} : memref<4096xf32, #tpu.memory_space<vmem>>, vector<16xf32>,
      %add3A_250 = arith.constant 32 : i32
      %add3A_251 = arith.addi %mul3A_242, %add3A_250 : i32
      %get3A_252 = arith.index_cast %add3A_251 : i32 to index
      %get3A_253 = tpu.vector_load %arg4[%get3A_252] {strides = array<i32>} : memref<4096xf32, #tpu.memory_space<vmem>>, vector<16xf32>,
      %add3A_254 = arith.constant 48 : i32
      %add3A_255 = arith.addi %mul3A_242, %add3A_254 : i32
      %get3A_256 = arith.index_cast %add3A_255 : i32 to index
      %get3A_257 = tpu.vector_load %arg4[%get3A_256] {strides = array<i32>} : memref<4096xf32, #tpu.memory_space<vmem>>, vector<16xf32>,
      %add3A_258 = arith.constant 64 : i32
      %add3A_259 = arith.addi %mul3A_242, %add3A_258 : i32
      %get3A_260 = arith.index_cast %add3A_259 : i32 to index
      %get3A_261 = tpu.vector_load %arg4[%get3A_260] {strides = array<i32>} : memref<4096xf32, #tpu.memory_space<vmem>>, vector<16xf32>,
      %add3A_262 = arith.constant 80 : i32
      %add3A_263 = arith.addi %mul3A_242, %add3A_262 : i32
      %get3A_264 = arith.index_cast %add3A_263 : i32 to index
      %get3A_265 = tpu.vector_load %arg4[%get3A_264] {strides = array<i32>} : memref<4096xf32, #tpu.memory_space<vmem>>, vector<16xf32>,
      %add3A_266 = arith.constant 96 : i32
      %add3A_267 = arith.addi %mul3A_242, %add3A_266 : i32
      %get3A_268 = arith.index_cast %add3A_267 : i32 to index
      %get3A_269 = tpu.vector_load %arg4[%get3A_268] {strides = array<i32>} : memref<4096xf32, #tpu.memory_space<vmem>>, vector<16xf32>,
      %add3A_270 = arith.constant 112 : i32
      %add3A_271 = arith.addi %mul3A_242, %add3A_270 : i32
      %get3A_272 = arith.index_cast %add3A_271 : i32 to index
      %get3A_273 = tpu.vector_load %arg4[%get3A_272] {strides = array<i32>} : memref<4096xf32, #tpu.memory_space<vmem>>, vector<16xf32>,
      %max3A_274 = arith.maximumf %scan3A_239, %get3A_245 : vector<16xf32>
      %max3A_275 = arith.maximumf %max3A_274, %get3A_249 : vector<16xf32>
      %max3A_276 = arith.maximumf %max3A_275, %get3A_253 : vector<16xf32>
      %max3A_277 = arith.maximumf %max3A_276, %get3A_257 : vector<16xf32>
      %max3A_278 = arith.maximumf %scan3A_240, %get3A_261 : vector<16xf32>
      %max3A_279 = arith.maximumf %max3A_278, %get3A_265 : vector<16xf32>
      %max3A_280 = arith.maximumf %max3A_279, %get3A_269 : vector<16xf32>
      %max3A_281 = arith.maximumf %max3A_280, %get3A_273 : vector<16xf32>
      scf.yield %max3A_277, %max3A_281 : vector<16xf32>, vector<16xf32>
    }
    %scan3A_54 = arith.constant 16 : i32
    %dma_wait3A_55 = arith.constant 2048 : i32
    %dma_wait3A_56 = tpu.memref_slice %arg4[%dma_wait3A_55] : memref<4096xf32, #tpu.memory_space<vmem>> -> memref<2048xf32, #tpu.memory_space<vmem>>
    %dma_wait3A_57 = arith.constant 2048 : i32
    %dma_wait3A_58 = tpu.memref_slice %arg2[%mul3A_2, %dma_wait3A_57] : memref<64x4096xf32, #tpu.memory_space<hbm>> -> memref<1x2048xf32, #tpu.memory_space<hbm>>
    %dma_wait3A_59 = tpu.memref_squeeze %dma_wait3A_58 : memref<1x2048xf32, #tpu.memory_space<hbm>> -> memref<2048xf32, #tpu.memory_space<hbm>>
    %dma_wait3A_60 = arith.constant 2048 : i32
    %dma_wait3A_61 = tpu.memref_slice %arg4[%dma_wait3A_60] : memref<4096xf32, #tpu.memory_space<vmem>> -> memref<2048xf32, #tpu.memory_space<vmem>>
    %dma_wait3A_62 = arith.constant 2048 : i32
    %dma_wait3A_63 = tpu.memref_slice %arg2[%mul3A_2, %dma_wait3A_62] : memref<64x4096xf32, #tpu.memory_space<hbm>> -> memref<1x2048xf32, #tpu.memory_space<hbm>>
    %dma_wait3A_64 = tpu.memref_squeeze %dma_wait3A_63 : memref<1x2048xf32, #tpu.memory_space<hbm>> -> memref<2048xf32, #tpu.memory_space<hbm>>
    tpu.wait_dma2 semaphore(%arg11 : memref<!tpu.dma_semaphore, #tpu.memory_space<semaphore_mem>>) src(%dma_wait3A_64 : memref<2048xf32, #tpu.memory_space<hbm>>) dst(%dma_wait3A_61 : memref<2048xf32, #tpu.memory_space<vmem>>)
    %scan3A_65 = arith.constant 16 : i32
    %scan3A_66 = arith.constant 16 : i32
    %scan3A_67 = arith.addi %scan3A_65, %scan3A_66 : i32
    %scan3A_68 = arith.constant 1 : i32
    %scan3A_69:2 = scf.for %scan3A_238 = %scan3A_65 to %scan3A_67 step %scan3A_68 iter_args(%scan3A_239 = %scan3A_53#0, %scan3A_240 = %scan3A_53#1) -> (vector<16xf32>, vector<16xf32>)  : i32 {
      %mul3A_241 = arith.constant 128 : i32
      %mul3A_242 = arith.muli %scan3A_238, %mul3A_241 : i32
      %add3A_243 = arith.constant 0 : i32
      %add3A_244 = arith.addi %mul3A_242, %add3A_243 : i32
      %get3A = arith.index_cast %add3A_244 : i32 to index
      %get3A_245 = tpu.vector_load %arg4[%get3A] {strides = array<i32>} : memref<4096xf32, #tpu.memory_space<vmem>>, vector<16xf32>,
      %add3A_246 = arith.constant 16 : i32
      %add3A_247 = arith.addi %mul3A_242, %add3A_246 : i32
      %get3A_248 = arith.index_cast %add3A_247 : i32 to index
      %get3A_249 = tpu.vector_load %arg4[%get3A_248] {strides = array<i32>} : memref<4096xf32, #tpu.memory_space<vmem>>, vector<16xf32>,
      %add3A_250 = arith.constant 32 : i32
      %add3A_251 = arith.addi %mul3A_242, %add3A_250 : i32
      %get3A_252 = arith.index_cast %add3A_251 : i32 to index
      %get3A_253 = tpu.vector_load %arg4[%get3A_252] {strides = array<i32>} : memref<4096xf32, #tpu.memory_space<vmem>>, vector<16xf32>,
      %add3A_254 = arith.constant 48 : i32
      %add3A_255 = arith.addi %mul3A_242, %add3A_254 : i32
      %get3A_256 = arith.index_cast %add3A_255 : i32 to index
      %get3A_257 = tpu.vector_load %arg4[%get3A_256] {strides = array<i32>} : memref<4096xf32, #tpu.memory_space<vmem>>, vector<16xf32>,
      %add3A_258 = arith.constant 64 : i32
      %add3A_259 = arith.addi %mul3A_242, %add3A_258 : i32
      %get3A_260 = arith.index_cast %add3A_259 : i32 to index
      %get3A_261 = tpu.vector_load %arg4[%get3A_260] {strides = array<i32>} : memref<4096xf32, #tpu.memory_space<vmem>>, vector<16xf32>,
      %add3A_262 = arith.constant 80 : i32
      %add3A_263 = arith.addi %mul3A_242, %add3A_262 : i32
      %get3A_264 = arith.index_cast %add3A_263 : i32 to index
      %get3A_265 = tpu.vector_load %arg4[%get3A_264] {strides = array<i32>} : memref<4096xf32, #tpu.memory_space<vmem>>, vector<16xf32>,
      %add3A_266 = arith.constant 96 : i32
      %add3A_267 = arith.addi %mul3A_242, %add3A_266 : i32
      %get3A_268 = arith.index_cast %add3A_267 : i32 to index
      %get3A_269 = tpu.vector_load %arg4[%get3A_268] {strides = array<i32>} : memref<4096xf32, #tpu.memory_space<vmem>>, vector<16xf32>,
      %add3A_270 = arith.constant 112 : i32
      %add3A_271 = arith.addi %mul3A_242, %add3A_270 : i32
      %get3A_272 = arith.index_cast %add3A_271 : i32 to index
      %get3A_273 = tpu.vector_load %arg4[%get3A_272] {strides = array<i32>} : memref<4096xf32, #tpu.memory_space<vmem>>, vector<16xf32>,
      %max3A_274 = arith.maximumf %scan3A_239, %get3A_245 : vector<16xf32>
      %max3A_275 = arith.maximumf %max3A_274, %get3A_249 : vector<16xf32>
      %max3A_276 = arith.maximumf %max3A_275, %get3A_253 : vector<16xf32>
      %max3A_277 = arith.maximumf %max3A_276, %get3A_257 : vector<16xf32>
      %max3A_278 = arith.maximumf %scan3A_240, %get3A_261 : vector<16xf32>
      %max3A_279 = arith.maximumf %max3A_278, %get3A_265 : vector<16xf32>
      %max3A_280 = arith.maximumf %max3A_279, %get3A_269 : vector<16xf32>
      %max3A_281 = arith.maximumf %max3A_280, %get3A_273 : vector<16xf32>
      scf.yield %max3A_277, %max3A_281 : vector<16xf32>, vector<16xf32>
    }
    %scan3A_70 = arith.constant 16 : i32
    %max3A = arith.maximumf %scan3A_69#0, %scan3A_69#1 : vector<16xf32>
    %reduce_max3A = arith.constant true
    %reduce_max3A_71 = vector.broadcast %reduce_max3A : i1 to vector<16xi1>
    %reduce_max3A_72 = tpu.scan <max>, %max3A masked %reduce_max3A_71 : vector<16xf32>, vector<16xi1> -> vector<16xf32>
    %reduce_max3A_73 = vector.extract %reduce_max3A_72[15] : f32 from vector<16xf32>
    %broadcast_in_dim3A_74 = vector.broadcast %reduce_max3A_73 : f32 to vector<16xf32>
    %scan3A_75 = arith.constant 0 : i32
    %scan3A_76 = arith.constant 0 : i32
    %scan3A_77 = arith.constant 32 : i32
    %scan3A_78 = arith.addi %scan3A_76, %scan3A_77 : i32
    %scan3A_79 = arith.constant 1 : i32
    %scan3A_80 = scf.for %scan3A_238 = %scan3A_76 to %scan3A_78 step %scan3A_79 iter_args(%scan3A_239 = %scan3A_75) -> (i32)  : i32 {
      %mul3A_240 = arith.constant 128 : i32
      %mul3A_241 = arith.muli %scan3A_238, %mul3A_240 : i32
      %add3A_242 = arith.constant 0 : i32
      %add3A_243 = arith.addi %mul3A_241, %add3A_242 : i32
      %get3A = arith.index_cast %add3A_243 : i32 to index
      %get3A_244 = tpu.vector_load %arg4[%get3A] {strides = array<i32>} : memref<4096xf32, #tpu.memory_space<vmem>>, vector<16xf32>,
      %sub3A_245 = arith.subf %get3A_244, %broadcast_in_dim3A_74 : vector<16xf32>
      %add3A_246 = arith.constant 16 : i32
      %add3A_247 = arith.addi %mul3A_241, %add3A_246 : i32
      %get3A_248 = arith.index_cast %add3A_247 : i32 to index
      %get3A_249 = tpu.vector_load %arg4[%get3A_248] {strides = array<i32>} : memref<4096xf32, #tpu.memory_space<vmem>>, vector<16xf32>,
      %sub3A_250 = arith.subf %get3A_249, %broadcast_in_dim3A_74 : vector<16xf32>
      %add3A_251 = arith.constant 32 : i32
      %add3A_252 = arith.addi %mul3A_241, %add3A_251 : i32
      %get3A_253 = arith.index_cast %add3A_252 : i32 to index
      %get3A_254 = tpu.vector_load %arg4[%get3A_253] {strides = array<i32>} : memref<4096xf32, #tpu.memory_space<vmem>>, vector<16xf32>,
      %sub3A_255 = arith.subf %get3A_254, %broadcast_in_dim3A_74 : vector<16xf32>
      %add3A_256 = arith.constant 48 : i32
      %add3A_257 = arith.addi %mul3A_241, %add3A_256 : i32
      %get3A_258 = arith.index_cast %add3A_257 : i32 to index
      %get3A_259 = tpu.vector_load %arg4[%get3A_258] {strides = array<i32>} : memref<4096xf32, #tpu.memory_space<vmem>>, vector<16xf32>,
      %sub3A_260 = arith.subf %get3A_259, %broadcast_in_dim3A_74 : vector<16xf32>
      %add3A_261 = arith.constant 64 : i32
      %add3A_262 = arith.addi %mul3A_241, %add3A_261 : i32
      %get3A_263 = arith.index_cast %add3A_262 : i32 to index
      %get3A_264 = tpu.vector_load %arg4[%get3A_263] {strides = array<i32>} : memref<4096xf32, #tpu.memory_space<vmem>>, vector<16xf32>,
      %sub3A_265 = arith.subf %get3A_264, %broadcast_in_dim3A_74 : vector<16xf32>
      %add3A_266 = arith.constant 80 : i32
      %add3A_267 = arith.addi %mul3A_241, %add3A_266 : i32
      %get3A_268 = arith.index_cast %add3A_267 : i32 to index
      %get3A_269 = tpu.vector_load %arg4[%get3A_268] {strides = array<i32>} : memref<4096xf32, #tpu.memory_space<vmem>>, vector<16xf32>,
      %sub3A_270 = arith.subf %get3A_269, %broadcast_in_dim3A_74 : vector<16xf32>
      %add3A_271 = arith.constant 96 : i32
      %add3A_272 = arith.addi %mul3A_241, %add3A_271 : i32
      %get3A_273 = arith.index_cast %add3A_272 : i32 to index
      %get3A_274 = tpu.vector_load %arg4[%get3A_273] {strides = array<i32>} : memref<4096xf32, #tpu.memory_space<vmem>>, vector<16xf32>,
      %sub3A_275 = arith.subf %get3A_274, %broadcast_in_dim3A_74 : vector<16xf32>
      %add3A_276 = arith.constant 112 : i32
      %add3A_277 = arith.addi %mul3A_241, %add3A_276 : i32
      %get3A_278 = arith.index_cast %add3A_277 : i32 to index
      %get3A_279 = tpu.vector_load %arg4[%get3A_278] {strides = array<i32>} : memref<4096xf32, #tpu.memory_space<vmem>>, vector<16xf32>,
      %sub3A_280 = arith.subf %get3A_279, %broadcast_in_dim3A_74 : vector<16xf32>
      %gt3A = arith.constant -1.000000e+00 : f32
      %gt3A_281 = vector.broadcast %gt3A : f32 to vector<16xf32>
      %gt3A_282 = arith.cmpf ogt, %sub3A_245, %gt3A_281 : vector<16xf32>
      %gt3A_283 = arith.constant -1.000000e+00 : f32
      %gt3A_284 = vector.broadcast %gt3A_283 : f32 to vector<16xf32>
      %gt3A_285 = arith.cmpf ogt, %sub3A_250, %gt3A_284 : vector<16xf32>
      %gt3A_286 = arith.constant -1.000000e+00 : f32
      %gt3A_287 = vector.broadcast %gt3A_286 : f32 to vector<16xf32>
      %gt3A_288 = arith.cmpf ogt, %sub3A_255, %gt3A_287 : vector<16xf32>
      %gt3A_289 = arith.constant -1.000000e+00 : f32
      %gt3A_290 = vector.broadcast %gt3A_289 : f32 to vector<16xf32>
      %gt3A_291 = arith.cmpf ogt, %sub3A_260, %gt3A_290 : vector<16xf32>
      %gt3A_292 = arith.constant -1.000000e+00 : f32
      %gt3A_293 = vector.broadcast %gt3A_292 : f32 to vector<16xf32>
      %gt3A_294 = arith.cmpf ogt, %sub3A_265, %gt3A_293 : vector<16xf32>
      %gt3A_295 = arith.constant -1.000000e+00 : f32
      %gt3A_296 = vector.broadcast %gt3A_295 : f32 to vector<16xf32>
      %gt3A_297 = arith.cmpf ogt, %sub3A_270, %gt3A_296 : vector<16xf32>
      %gt3A_298 = arith.constant -1.000000e+00 : f32
      %gt3A_299 = vector.broadcast %gt3A_298 : f32 to vector<16xf32>
      %gt3A_300 = arith.cmpf ogt, %sub3A_275, %gt3A_299 : vector<16xf32>
      %gt3A_301 = arith.constant -1.000000e+00 : f32
      %gt3A_302 = vector.broadcast %gt3A_301 : f32 to vector<16xf32>
      %gt3A_303 = arith.cmpf ogt, %sub3A_280, %gt3A_302 : vector<16xf32>
      %all_reduce_population_count3A = tpu.all_reduce %gt3A_282 {dim = 0 : i64, kind = #tpu.reduction_kind<sum>} : vector<16xi1> -> vector<16xi32>
      %slice3A = vector.extract_strided_slice %all_reduce_population_count3A {offsets = [0], sizes = [1], strides = [1]} : vector<16xi32> to vector<1xi32>
      %squeeze3A = vector.extract %slice3A[0] : i32 from vector<1xi32>
      %all_reduce_population_count3A_304 = tpu.all_reduce %gt3A_285 {dim = 0 : i64, kind = #tpu.reduction_kind<sum>} : vector<16xi1> -> vector<16xi32>
      %slice3A_305 = vector.extract_strided_slice %all_reduce_population_count3A_304 {offsets = [0], sizes = [1], strides = [1]} : vector<16xi32> to vector<1xi32>
      %squeeze3A_306 = vector.extract %slice3A_305[0] : i32 from vector<1xi32>
      %all_reduce_population_count3A_307 = tpu.all_reduce %gt3A_288 {dim = 0 : i64, kind = #tpu.reduction_kind<sum>} : vector<16xi1> -> vector<16xi32>
      %slice3A_308 = vector.extract_strided_slice %all_reduce_population_count3A_307 {offsets = [0], sizes = [1], strides = [1]} : vector<16xi32> to vector<1xi32>
      %squeeze3A_309 = vector.extract %slice3A_308[0] : i32 from vector<1xi32>
      %all_reduce_population_count3A_310 = tpu.all_reduce %gt3A_291 {dim = 0 : i64, kind = #tpu.reduction_kind<sum>} : vector<16xi1> -> vector<16xi32>
      %slice3A_311 = vector.extract_strided_slice %all_reduce_population_count3A_310 {offsets = [0], sizes = [1], strides = [1]} : vector<16xi32> to vector<1xi32>
      %squeeze3A_312 = vector.extract %slice3A_311[0] : i32 from vector<1xi32>
      %all_reduce_population_count3A_313 = tpu.all_reduce %gt3A_294 {dim = 0 : i64, kind = #tpu.reduction_kind<sum>} : vector<16xi1> -> vector<16xi32>
      %slice3A_314 = vector.extract_strided_slice %all_reduce_population_count3A_313 {offsets = [0], sizes = [1], strides = [1]} : vector<16xi32> to vector<1xi32>
      %squeeze3A_315 = vector.extract %slice3A_314[0] : i32 from vector<1xi32>
      %all_reduce_population_count3A_316 = tpu.all_reduce %gt3A_297 {dim = 0 : i64, kind = #tpu.reduction_kind<sum>} : vector<16xi1> -> vector<16xi32>
      %slice3A_317 = vector.extract_strided_slice %all_reduce_population_count3A_316 {offsets = [0], sizes = [1], strides = [1]} : vector<16xi32> to vector<1xi32>
      %squeeze3A_318 = vector.extract %slice3A_317[0] : i32 from vector<1xi32>
      %all_reduce_population_count3A_319 = tpu.all_reduce %gt3A_300 {dim = 0 : i64, kind = #tpu.reduction_kind<sum>} : vector<16xi1> -> vector<16xi32>
      %slice3A_320 = vector.extract_strided_slice %all_reduce_population_count3A_319 {offsets = [0], sizes = [1], strides = [1]} : vector<16xi32> to vector<1xi32>
      %squeeze3A_321 = vector.extract %slice3A_320[0] : i32 from vector<1xi32>
      %all_reduce_population_count3A_322 = tpu.all_reduce %gt3A_303 {dim = 0 : i64, kind = #tpu.reduction_kind<sum>} : vector<16xi1> -> vector<16xi32>
      %slice3A_323 = vector.extract_strided_slice %all_reduce_population_count3A_322 {offsets = [0], sizes = [1], strides = [1]} : vector<16xi32> to vector<1xi32>
      %squeeze3A_324 = vector.extract %slice3A_323[0] : i32 from vector<1xi32>
      %add3A_325 = arith.addi %scan3A_239, %squeeze3A : i32
      %add3A_326 = arith.addi %add3A_325, %squeeze3A_306 : i32
      %add3A_327 = arith.addi %add3A_326, %squeeze3A_309 : i32
      %add3A_328 = arith.addi %add3A_327, %squeeze3A_312 : i32
      %add3A_329 = arith.addi %add3A_328, %squeeze3A_315 : i32
      %add3A_330 = arith.addi %add3A_329, %squeeze3A_318 : i32
      %add3A_331 = arith.addi %add3A_330, %squeeze3A_321 : i32
      %add3A_332 = arith.addi %add3A_331, %squeeze3A_324 : i32
      %swap3A_333 = arith.index_cast %scan3A_239 : i32 to index
      %swap3A_334 = tpu.vector_load %arg6[%swap3A_333] masked %gt3A_282 {strides = array<i32>} : memref<4112xf32, #tpu.memory_space<vmem>>, vector<16xf32>, vector<16xi1>
      tpu.vector_store %arg6[%swap3A_333], %sub3A_245 masked %gt3A_282 {strides = array<i32>} : memref<4112xf32, #tpu.memory_space<vmem>>, vector<16xf32>, vector<16xi1>
      %add3A_335 = arith.constant 0 : i32
      %add3A_336 = arith.addi %mul3A_241, %add3A_335 : i32
      %add3A_337 = vector.broadcast %add3A_336 : i32 to vector<16xi32>
      %add3A_338 = arith.addi %iota3A, %add3A_337 : vector<16xi32>
      %swap3A_339 = arith.index_cast %scan3A_239 : i32 to index
      %swap3A_340 = tpu.vector_load %arg7[%swap3A_339] masked %gt3A_282 {strides = array<i32>} : memref<4112xi32, #tpu.memory_space<vmem>>, vector<16xi32>, vector<16xi1>
      tpu.vector_store %arg7[%swap3A_339], %add3A_338 masked %gt3A_282 {strides = array<i32>} : memref<4112xi32, #tpu.memory_space<vmem>>, vector<16xi32>, vector<16xi1>
      %swap3A_341 = arith.index_cast %add3A_325 : i32 to index
      %swap3A_342 = tpu.vector_load %arg6[%swap3A_341] masked %gt3A_285 {strides = array<i32>} : memref<4112xf32, #tpu.memory_space<vmem>>, vector<16xf32>, vector<16xi1>
      tpu.vector_store %arg6[%swap3A_341], %sub3A_250 masked %gt3A_285 {strides = array<i32>} : memref<4112xf32, #tpu.memory_space<vmem>>, vector<16xf32>, vector<16xi1>
      %add3A_343 = arith.constant 16 : i32
      %add3A_344 = arith.addi %mul3A_241, %add3A_343 : i32
      %add3A_345 = vector.broadcast %add3A_344 : i32 to vector<16xi32>
      %add3A_346 = arith.addi %iota3A, %add3A_345 : vector<16xi32>
      %swap3A_347 = arith.index_cast %add3A_325 : i32 to index
      %swap3A_348 = tpu.vector_load %arg7[%swap3A_347] masked %gt3A_285 {strides = array<i32>} : memref<4112xi32, #tpu.memory_space<vmem>>, vector<16xi32>, vector<16xi1>
      tpu.vector_store %arg7[%swap3A_347], %add3A_346 masked %gt3A_285 {strides = array<i32>} : memref<4112xi32, #tpu.memory_space<vmem>>, vector<16xi32>, vector<16xi1>
      %swap3A_349 = arith.index_cast %add3A_326 : i32 to index
      %swap3A_350 = tpu.vector_load %arg6[%swap3A_349] masked %gt3A_288 {strides = array<i32>} : memref<4112xf32, #tpu.memory_space<vmem>>, vector<16xf32>, vector<16xi1>
      tpu.vector_store %arg6[%swap3A_349], %sub3A_255 masked %gt3A_288 {strides = array<i32>} : memref<4112xf32, #tpu.memory_space<vmem>>, vector<16xf32>, vector<16xi1>
      %add3A_351 = arith.constant 32 : i32
      %add3A_352 = arith.addi %mul3A_241, %add3A_351 : i32
      %add3A_353 = vector.broadcast %add3A_352 : i32 to vector<16xi32>
      %add3A_354 = arith.addi %iota3A, %add3A_353 : vector<16xi32>
      %swap3A_355 = arith.index_cast %add3A_326 : i32 to index
      %swap3A_356 = tpu.vector_load %arg7[%swap3A_355] masked %gt3A_288 {strides = array<i32>} : memref<4112xi32, #tpu.memory_space<vmem>>, vector<16xi32>, vector<16xi1>
      tpu.vector_store %arg7[%swap3A_355], %add3A_354 masked %gt3A_288 {strides = array<i32>} : memref<4112xi32, #tpu.memory_space<vmem>>, vector<16xi32>, vector<16xi1>
      %swap3A_357 = arith.index_cast %add3A_327 : i32 to index
      %swap3A_358 = tpu.vector_load %arg6[%swap3A_357] masked %gt3A_291 {strides = array<i32>} : memref<4112xf32, #tpu.memory_space<vmem>>, vector<16xf32>, vector<16xi1>
      tpu.vector_store %arg6[%swap3A_357], %sub3A_260 masked %gt3A_291 {strides = array<i32>} : memref<4112xf32, #tpu.memory_space<vmem>>, vector<16xf32>, vector<16xi1>
      %add3A_359 = arith.constant 48 : i32
      %add3A_360 = arith.addi %mul3A_241, %add3A_359 : i32
      %add3A_361 = vector.broadcast %add3A_360 : i32 to vector<16xi32>
      %add3A_362 = arith.addi %iota3A, %add3A_361 : vector<16xi32>
      %swap3A_363 = arith.index_cast %add3A_327 : i32 to index
      %swap3A_364 = tpu.vector_load %arg7[%swap3A_363] masked %gt3A_291 {strides = array<i32>} : memref<4112xi32, #tpu.memory_space<vmem>>, vector<16xi32>, vector<16xi1>
      tpu.vector_store %arg7[%swap3A_363], %add3A_362 masked %gt3A_291 {strides = array<i32>} : memref<4112xi32, #tpu.memory_space<vmem>>, vector<16xi32>, vector<16xi1>
      %swap3A_365 = arith.index_cast %add3A_328 : i32 to index
      %swap3A_366 = tpu.vector_load %arg6[%swap3A_365] masked %gt3A_294 {strides = array<i32>} : memref<4112xf32, #tpu.memory_space<vmem>>, vector<16xf32>, vector<16xi1>
      tpu.vector_store %arg6[%swap3A_365], %sub3A_265 masked %gt3A_294 {strides = array<i32>} : memref<4112xf32, #tpu.memory_space<vmem>>, vector<16xf32>, vector<16xi1>
      %add3A_367 = arith.constant 64 : i32
      %add3A_368 = arith.addi %mul3A_241, %add3A_367 : i32
      %add3A_369 = vector.broadcast %add3A_368 : i32 to vector<16xi32>
      %add3A_370 = arith.addi %iota3A, %add3A_369 : vector<16xi32>
      %swap3A_371 = arith.index_cast %add3A_328 : i32 to index
      %swap3A_372 = tpu.vector_load %arg7[%swap3A_371] masked %gt3A_294 {strides = array<i32>} : memref<4112xi32, #tpu.memory_space<vmem>>, vector<16xi32>, vector<16xi1>
      tpu.vector_store %arg7[%swap3A_371], %add3A_370 masked %gt3A_294 {strides = array<i32>} : memref<4112xi32, #tpu.memory_space<vmem>>, vector<16xi32>, vector<16xi1>
      %swap3A_373 = arith.index_cast %add3A_329 : i32 to index
      %swap3A_374 = tpu.vector_load %arg6[%swap3A_373] masked %gt3A_297 {strides = array<i32>} : memref<4112xf32, #tpu.memory_space<vmem>>, vector<16xf32>, vector<16xi1>
      tpu.vector_store %arg6[%swap3A_373], %sub3A_270 masked %gt3A_297 {strides = array<i32>} : memref<4112xf32, #tpu.memory_space<vmem>>, vector<16xf32>, vector<16xi1>
      %add3A_375 = arith.constant 80 : i32
      %add3A_376 = arith.addi %mul3A_241, %add3A_375 : i32
      %add3A_377 = vector.broadcast %add3A_376 : i32 to vector<16xi32>
      %add3A_378 = arith.addi %iota3A, %add3A_377 : vector<16xi32>
      %swap3A_379 = arith.index_cast %add3A_329 : i32 to index
      %swap3A_380 = tpu.vector_load %arg7[%swap3A_379] masked %gt3A_297 {strides = array<i32>} : memref<4112xi32, #tpu.memory_space<vmem>>, vector<16xi32>, vector<16xi1>
      tpu.vector_store %arg7[%swap3A_379], %add3A_378 masked %gt3A_297 {strides = array<i32>} : memref<4112xi32, #tpu.memory_space<vmem>>, vector<16xi32>, vector<16xi1>
      %swap3A_381 = arith.index_cast %add3A_330 : i32 to index
      %swap3A_382 = tpu.vector_load %arg6[%swap3A_381] masked %gt3A_300 {strides = array<i32>} : memref<4112xf32, #tpu.memory_space<vmem>>, vector<16xf32>, vector<16xi1>
      tpu.vector_store %arg6[%swap3A_381], %sub3A_275 masked %gt3A_300 {strides = array<i32>} : memref<4112xf32, #tpu.memory_space<vmem>>, vector<16xf32>, vector<16xi1>
      %add3A_383 = arith.constant 96 : i32
      %add3A_384 = arith.addi %mul3A_241, %add3A_383 : i32
      %add3A_385 = vector.broadcast %add3A_384 : i32 to vector<16xi32>
      %add3A_386 = arith.addi %iota3A, %add3A_385 : vector<16xi32>
      %swap3A_387 = arith.index_cast %add3A_330 : i32 to index
      %swap3A_388 = tpu.vector_load %arg7[%swap3A_387] masked %gt3A_300 {strides = array<i32>} : memref<4112xi32, #tpu.memory_space<vmem>>, vector<16xi32>, vector<16xi1>
      tpu.vector_store %arg7[%swap3A_387], %add3A_386 masked %gt3A_300 {strides = array<i32>} : memref<4112xi32, #tpu.memory_space<vmem>>, vector<16xi32>, vector<16xi1>
      %swap3A_389 = arith.index_cast %add3A_331 : i32 to index
      %swap3A_390 = tpu.vector_load %arg6[%swap3A_389] masked %gt3A_303 {strides = array<i32>} : memref<4112xf32, #tpu.memory_space<vmem>>, vector<16xf32>, vector<16xi1>
      tpu.vector_store %arg6[%swap3A_389], %sub3A_280 masked %gt3A_303 {strides = array<i32>} : memref<4112xf32, #tpu.memory_space<vmem>>, vector<16xf32>, vector<16xi1>
      %add3A_391 = arith.constant 112 : i32
      %add3A_392 = arith.addi %mul3A_241, %add3A_391 : i32
      %add3A_393 = vector.broadcast %add3A_392 : i32 to vector<16xi32>
      %add3A_394 = arith.addi %iota3A, %add3A_393 : vector<16xi32>
      %swap3A_395 = arith.index_cast %add3A_331 : i32 to index
      %swap3A_396 = tpu.vector_load %arg7[%swap3A_395] masked %gt3A_303 {strides = array<i32>} : memref<4112xi32, #tpu.memory_space<vmem>>, vector<16xi32>, vector<16xi1>
      tpu.vector_store %arg7[%swap3A_395], %add3A_394 masked %gt3A_303 {strides = array<i32>} : memref<4112xi32, #tpu.memory_space<vmem>>, vector<16xi32>, vector<16xi1>
      scf.yield %add3A_332 : i32
    }
    %scan3A_81 = arith.constant 32 : i32
    %swap3A = arith.index_cast %scan3A_80 : i32 to index
    %swap3A_82 = tpu.vector_load %arg6[%swap3A] {strides = array<i32>} : memref<4112xf32, #tpu.memory_space<vmem>>, vector<16xf32>,
    tpu.vector_store %arg6[%swap3A], %broadcast_in_dim3A_34 {strides = array<i32>} : memref<4112xf32, #tpu.memory_space<vmem>>, vector<16xf32>,
    %broadcast_in_dim3A_83 = arith.constant 4096 : i32
    %broadcast_in_dim3A_84 = vector.broadcast %broadcast_in_dim3A_83 : i32 to vector<16xi32>
    %swap3A_85 = arith.index_cast %scan3A_80 : i32 to index
    %swap3A_86 = tpu.vector_load %arg7[%swap3A_85] {strides = array<i32>} : memref<4112xi32, #tpu.memory_space<vmem>>, vector<16xi32>,
    tpu.vector_store %arg7[%swap3A_85], %broadcast_in_dim3A_84 {strides = array<i32>} : memref<4112xi32, #tpu.memory_space<vmem>>, vector<16xi32>,
    %add3A_87 = arith.constant 15 : i32
    %add3A_88 = arith.addi %scan3A_80, %add3A_87 : i32
    %shift_right_logical3A = arith.constant 4 : i32
    %shift_right_logical3A_89 = arith.shrui %add3A_88, %shift_right_logical3A : i32
    %broadcast_in_dim3A_90 = arith.constant -1.000000e+00 : f32
    %broadcast_in_dim3A_91 = vector.broadcast %broadcast_in_dim3A_90 : f32 to vector<16xf32>
    %while3A = arith.constant 0 : i32
    %while3A_92 = arith.subi %shift_right_logical3A_89, %while3A : i32
    %while3A_93 = arith.addi %while3A, %while3A_92 : i32
    %while3A_94 = arith.constant 1 : i32
    %while3A_95 = arith.divsi %while3A_92, %while3A_94 : i32
    %while3A_96 = arith.muli %while3A_95, %while3A_94 : i32
    %while3A_97 = arith.addi %while3A, %while3A_96 : i32
    %while3A_98 = arith.constant 1 : i32
    %while3A_99:2 = scf.for %while3A_238 = %while3A to %while3A_97 step %while3A_98 iter_args(%while3A_239 = %broadcast_in_dim3A_30, %while3A_240 = %broadcast_in_dim3A_32) -> (vector<16xf32>, vector<16xi32>)  : i32 {
      %mul3A_241 = arith.constant 16 : i32
      %mul3A_242 = arith.muli %while3A_238, %mul3A_241 : i32
      %get3A = arith.index_cast %mul3A_242 : i32 to index
      %get3A_243 = tpu.vector_load %arg6[%get3A] {strides = array<i32>} : memref<4112xf32, #tpu.memory_space<vmem>>, vector<16xf32>,
      %gt3A = arith.cmpf ogt, %get3A_243, %broadcast_in_dim3A_91 : vector<16xf32>
      %jit3A = arith.constant 0.000000e+00 : f32
      %broadcast_in_dim3A_244 = vector.broadcast %jit3A : f32 to vector<16xf32>
      %select_n3A = arith.select %gt3A, %get3A_243, %broadcast_in_dim3A_244 : vector<16xi1>, vector<16xf32>
      %add3A_245 = arith.addf %while3A_239, %select_n3A : vector<16xf32>
      %jit3A_246 = arith.constant 1 : i32
      %jit3A_247 = arith.constant 0 : i32
      %broadcast_in_dim3A_248 = vector.broadcast %jit3A_246 : i32 to vector<16xi32>
      %broadcast_in_dim3A_249 = vector.broadcast %jit3A_247 : i32 to vector<16xi32>
      %select_n3A_250 = arith.select %gt3A, %broadcast_in_dim3A_248, %broadcast_in_dim3A_249 : vector<16xi1>, vector<16xi32>
      %add3A_251 = arith.addi %while3A_240, %select_n3A_250 : vector<16xi32>
      scf.yield %add3A_245, %add3A_251 : vector<16xf32>, vector<16xi32>
    }
    %while3A_100 = arith.constant 1 : i32
    %while3A_101:2 = scf.for %while3A_238 = %while3A_97 to %while3A_93 step %while3A_100 iter_args(%while3A_239 = %while3A_99#0, %while3A_240 = %while3A_99#1) -> (vector<16xf32>, vector<16xi32>)  : i32 {
      %mul3A_241 = arith.constant 16 : i32
      %mul3A_242 = arith.muli %while3A_238, %mul3A_241 : i32
      %get3A = arith.index_cast %mul3A_242 : i32 to index
      %get3A_243 = tpu.vector_load %arg6[%get3A] {strides = array<i32>} : memref<4112xf32, #tpu.memory_space<vmem>>, vector<16xf32>,
      %gt3A = arith.cmpf ogt, %get3A_243, %broadcast_in_dim3A_91 : vector<16xf32>
      %jit3A = arith.constant 0.000000e+00 : f32
      %broadcast_in_dim3A_244 = vector.broadcast %jit3A : f32 to vector<16xf32>
      %select_n3A = arith.select %gt3A, %get3A_243, %broadcast_in_dim3A_244 : vector<16xi1>, vector<16xf32>
      %add3A_245 = arith.addf %while3A_239, %select_n3A : vector<16xf32>
      %jit3A_246 = arith.constant 1 : i32
      %jit3A_247 = arith.constant 0 : i32
      %broadcast_in_dim3A_248 = vector.broadcast %jit3A_246 : i32 to vector<16xi32>
      %broadcast_in_dim3A_249 = vector.broadcast %jit3A_247 : i32 to vector<16xi32>
      %select_n3A_250 = arith.select %gt3A, %broadcast_in_dim3A_248, %broadcast_in_dim3A_249 : vector<16xi1>, vector<16xi32>
      %add3A_251 = arith.addi %while3A_240, %select_n3A_250 : vector<16xi32>
      scf.yield %add3A_245, %add3A_251 : vector<16xf32>, vector<16xi32>
    }
    %reduce_sum3A = arith.constant true
    %reduce_sum3A_102 = vector.broadcast %reduce_sum3A : i1 to vector<16xi1>
    %reduce_sum3A_103 = tpu.scan <sum>, %while3A_101#1 masked %reduce_sum3A_102 : vector<16xi32>, vector<16xi1> -> vector<16xi32>
    %reduce_sum3A_104 = vector.extract %reduce_sum3A_103[15] : i32 from vector<16xi32>
    %reduce_sum3A_105 = arith.constant true
    %reduce_sum3A_106 = vector.broadcast %reduce_sum3A_105 : i1 to vector<16xi1>
    %reduce_sum3A_107 = tpu.scan <sum>, %while3A_101#0 masked %reduce_sum3A_106 : vector<16xf32>, vector<16xi1> -> vector<16xf32>
    %reduce_sum3A_108 = vector.extract %reduce_sum3A_107[15] : f32 from vector<16xf32>
    %sub3A = arith.constant 1.000000e+00 : f32
    %sub3A_109 = arith.subf %reduce_sum3A_108, %sub3A : f32
    %broadcast_in_dim3A_110 = vector.broadcast %sub3A_109 : f32 to vector<16xf32>
    %broadcast_in_dim3A_111 = vector.broadcast %reduce_sum3A_104 : i32 to vector<16xi32>
    %convert_element_type3A = arith.sitofp %broadcast_in_dim3A_111 : vector<16xi32> to vector<16xf32>
    %div3A = arith.divf %broadcast_in_dim3A_110, %convert_element_type3A : vector<16xf32>
    %while3A_112 = arith.constant -1 : i32
    %while3A_113:3 = scf.while (%while3A_238 = %div3A, %while3A_239 = %while3A_112, %while3A_240 = %reduce_sum3A_104) : (vector<16xf32>, i32, i32) -> (vector<16xf32>, i32, i32) {
      %ne3A = arith.cmpi ne, %while3A_240, %while3A_239 : i32
      scf.condition(%ne3A) %while3A_238, %while3A_239, %while3A_240 : vector<16xf32>, i32, i32
    } do {
    ^bb0(%while3A_238: vector<16xf32>, %while3A_239: i32, %while3A_240: i32):
      %while3A_241 = arith.constant 0 : i32
      %while3A_242 = arith.subi %shift_right_logical3A_89, %while3A_241 : i32
      %while3A_243 = arith.addi %while3A_241, %while3A_242 : i32
      %while3A_244 = arith.constant 1 : i32
      %while3A_245 = arith.divsi %while3A_242, %while3A_244 : i32
      %while3A_246 = arith.muli %while3A_245, %while3A_244 : i32
      %while3A_247 = arith.addi %while3A_241, %while3A_246 : i32
      %while3A_248 = arith.constant 1 : i32
      %while3A_249:2 = scf.for %while3A_266 = %while3A_241 to %while3A_247 step %while3A_248 iter_args(%while3A_267 = %broadcast_in_dim3A_30, %while3A_268 = %broadcast_in_dim3A_32) -> (vector<16xf32>, vector<16xi32>)  : i32 {
        %mul3A_269 = arith.constant 16 : i32
        %mul3A_270 = arith.muli %while3A_266, %mul3A_269 : i32
        %get3A = arith.index_cast %mul3A_270 : i32 to index
        %get3A_271 = tpu.vector_load %arg6[%get3A] {strides = array<i32>} : memref<4112xf32, #tpu.memory_space<vmem>>, vector<16xf32>,
        %gt3A = arith.cmpf ogt, %get3A_271, %while3A_238 : vector<16xf32>
        %jit3A = arith.constant 0.000000e+00 : f32
        %broadcast_in_dim3A_272 = vector.broadcast %jit3A : f32 to vector<16xf32>
        %select_n3A = arith.select %gt3A, %get3A_271, %broadcast_in_dim3A_272 : vector<16xi1>, vector<16xf32>
        %add3A_273 = arith.addf %while3A_267, %select_n3A : vector<16xf32>
        %jit3A_274 = arith.constant 1 : i32
        %jit3A_275 = arith.constant 0 : i32
        %broadcast_in_dim3A_276 = vector.broadcast %jit3A_274 : i32 to vector<16xi32>
        %broadcast_in_dim3A_277 = vector.broadcast %jit3A_275 : i32 to vector<16xi32>
        %select_n3A_278 = arith.select %gt3A, %broadcast_in_dim3A_276, %broadcast_in_dim3A_277 : vector<16xi1>, vector<16xi32>
        %add3A_279 = arith.addi %while3A_268, %select_n3A_278 : vector<16xi32>
        scf.yield %add3A_273, %add3A_279 : vector<16xf32>, vector<16xi32>
      }
      %while3A_250 = arith.constant 1 : i32
      %while3A_251:2 = scf.for %while3A_266 = %while3A_247 to %while3A_243 step %while3A_250 iter_args(%while3A_267 = %while3A_249#0, %while3A_268 = %while3A_249#1) -> (vector<16xf32>, vector<16xi32>)  : i32 {
        %mul3A_269 = arith.constant 16 : i32
        %mul3A_270 = arith.muli %while3A_266, %mul3A_269 : i32
        %get3A = arith.index_cast %mul3A_270 : i32 to index
        %get3A_271 = tpu.vector_load %arg6[%get3A] {strides = array<i32>} : memref<4112xf32, #tpu.memory_space<vmem>>, vector<16xf32>,
        %gt3A = arith.cmpf ogt, %get3A_271, %while3A_238 : vector<16xf32>
        %jit3A = arith.constant 0.000000e+00 : f32
        %broadcast_in_dim3A_272 = vector.broadcast %jit3A : f32 to vector<16xf32>
        %select_n3A = arith.select %gt3A, %get3A_271, %broadcast_in_dim3A_272 : vector<16xi1>, vector<16xf32>
        %add3A_273 = arith.addf %while3A_267, %select_n3A : vector<16xf32>
        %jit3A_274 = arith.constant 1 : i32
        %jit3A_275 = arith.constant 0 : i32
        %broadcast_in_dim3A_276 = vector.broadcast %jit3A_274 : i32 to vector<16xi32>
        %broadcast_in_dim3A_277 = vector.broadcast %jit3A_275 : i32 to vector<16xi32>
        %select_n3A_278 = arith.select %gt3A, %broadcast_in_dim3A_276, %broadcast_in_dim3A_277 : vector<16xi1>, vector<16xi32>
        %add3A_279 = arith.addi %while3A_268, %select_n3A_278 : vector<16xi32>
        scf.yield %add3A_273, %add3A_279 : vector<16xf32>, vector<16xi32>
      }
      %reduce_sum3A_252 = arith.constant true
      %reduce_sum3A_253 = vector.broadcast %reduce_sum3A_252 : i1 to vector<16xi1>
      %reduce_sum3A_254 = tpu.scan <sum>, %while3A_251#1 masked %reduce_sum3A_253 : vector<16xi32>, vector<16xi1> -> vector<16xi32>
      %reduce_sum3A_255 = vector.extract %reduce_sum3A_254[15] : i32 from vector<16xi32>
      %reduce_sum3A_256 = arith.constant true
      %reduce_sum3A_257 = vector.broadcast %reduce_sum3A_256 : i1 to vector<16xi1>
      %reduce_sum3A_258 = tpu.scan <sum>, %while3A_251#0 masked %reduce_sum3A_257 : vector<16xf32>, vector<16xi1> -> vector<16xf32>
      %reduce_sum3A_259 = vector.extract %reduce_sum3A_258[15] : f32 from vector<16xf32>
      %sub3A_260 = arith.constant 1.000000e+00 : f32
      %sub3A_261 = arith.subf %reduce_sum3A_259, %sub3A_260 : f32
      %broadcast_in_dim3A_262 = vector.broadcast %sub3A_261 : f32 to vector<16xf32>
      %broadcast_in_dim3A_263 = vector.broadcast %reduce_sum3A_255 : i32 to vector<16xi32>
      %convert_element_type3A_264 = arith.sitofp %broadcast_in_dim3A_263 : vector<16xi32> to vector<16xf32>
      %div3A_265 = arith.divf %broadcast_in_dim3A_262, %convert_element_type3A_264 : vector<16xf32>
      scf.yield %div3A_265, %while3A_240, %reduce_sum3A_255 : vector<16xf32>, i32, i32
    }
    %while3A_114 = arith.constant 0 : i32
    %while3A_115 = arith.constant 0 : i32
    %while3A_116 = arith.subi %shift_right_logical3A_89, %while3A_115 : i32
    %while3A_117 = arith.addi %while3A_115, %while3A_116 : i32
    %while3A_118 = arith.constant 1 : i32
    %while3A_119 = arith.divsi %while3A_116, %while3A_118 : i32
    %while3A_120 = arith.muli %while3A_119, %while3A_118 : i32
    %while3A_121 = arith.addi %while3A_115, %while3A_120 : i32
    %while3A_122 = arith.constant 1 : i32
    scf.for %while3A_238 = %while3A_115 to %while3A_121 step %while3A_122  : i32 {
      %mul3A_239 = arith.constant 16 : i32
      %mul3A_240 = arith.muli %while3A_238, %mul3A_239 : i32
      %get3A = arith.index_cast %mul3A_240 : i32 to index
      %get3A_241 = tpu.vector_load %arg6[%get3A] {strides = array<i32>} : memref<4112xf32, #tpu.memory_space<vmem>>, vector<16xf32>,
      %sub3A_242 = arith.subf %get3A_241, %while3A_113#0 : vector<16xf32>
      %max3A_243 = arith.constant 0.000000e+00 : f32
      %max3A_244 = vector.broadcast %max3A_243 : f32 to vector<16xf32>
      %max3A_245 = arith.maximumf %sub3A_242, %max3A_244 : vector<16xf32>
      %get3A_246 = arith.index_cast %mul3A_240 : i32 to index
      %get3A_247 = tpu.vector_load %arg7[%get3A_246] {strides = array<i32>} : memref<4112xi32, #tpu.memory_space<vmem>>, vector<16xi32>,
      tpu.vector_store_idx %arg8[%get3A_247], %max3A_245 : memref<4112xf32, #tpu.memory_space<vmem>>[vector<16xi32>], vector<16xf32>,
    }
    %while3A_123 = arith.constant 1 : i32
    scf.for %while3A_238 = %while3A_121 to %while3A_117 step %while3A_123  : i32 {
      %mul3A_239 = arith.constant 16 : i32
      %mul3A_240 = arith.muli %while3A_238, %mul3A_239 : i32
      %get3A = arith.index_cast %mul3A_240 : i32 to index
      %get3A_241 = tpu.vector_load %arg6[%get3A] {strides = array<i32>} : memref<4112xf32, #tpu.memory_space<vmem>>, vector<16xf32>,
      %sub3A_242 = arith.subf %get3A_241, %while3A_113#0 : vector<16xf32>
      %max3A_243 = arith.constant 0.000000e+00 : f32
      %max3A_244 = vector.broadcast %max3A_243 : f32 to vector<16xf32>
      %max3A_245 = arith.maximumf %sub3A_242, %max3A_244 : vector<16xf32>
      %get3A_246 = arith.index_cast %mul3A_240 : i32 to index
      %get3A_247 = tpu.vector_load %arg7[%get3A_246] {strides = array<i32>} : memref<4112xi32, #tpu.memory_space<vmem>>, vector<16xi32>,
      tpu.vector_store_idx %arg8[%get3A_247], %max3A_245 : memref<4112xf32, #tpu.memory_space<vmem>>[vector<16xi32>], vector<16xf32>,
    }
    %dma_start3A_124 = arith.constant 0 : i32
    %dma_start3A_125 = tpu.memref_slice %arg8[%dma_start3A_124] : memref<4112xf32, #tpu.memory_space<vmem>> -> memref<4096xf32, #tpu.memory_space<vmem>>
    %dma_start3A_126 = arith.constant 0 : i32
    %dma_start3A_127 = tpu.memref_slice %arg3[%mul3A_2, %dma_start3A_126] : memref<64x4096xf32, #tpu.memory_space<hbm>> -> memref<1x4096xf32, #tpu.memory_space<hbm>>
    %dma_start3A_128 = tpu.memref_squeeze %dma_start3A_127 : memref<1x4096xf32, #tpu.memory_space<hbm>> -> memref<4096xf32, #tpu.memory_space<hbm>>
    %dma_start3A_129 = arith.constant 0 : i32
    %dma_start3A_130 = tpu.memref_slice %arg3[%mul3A_2, %dma_start3A_129] : memref<64x4096xf32, #tpu.memory_space<hbm>> -> memref<1x4096xf32, #tpu.memory_space<hbm>>
    %dma_start3A_131 = tpu.memref_squeeze %dma_start3A_130 : memref<1x4096xf32, #tpu.memory_space<hbm>> -> memref<4096xf32, #tpu.memory_space<hbm>>
    %dma_start3A_132 = arith.constant 0 : i32
    %dma_start3A_133 = tpu.memref_slice %arg8[%dma_start3A_132] : memref<4112xf32, #tpu.memory_space<vmem>> -> memref<4096xf32, #tpu.memory_space<vmem>>
    tpu.enqueue_dma source(%dma_start3A_133 : memref<4096xf32, #tpu.memory_space<vmem>>) target(%dma_start3A_131 : memref<4096xf32, #tpu.memory_space<hbm>>) target_semaphore(%arg13 : memref<!tpu.dma_semaphore, #tpu.memory_space<semaphore_mem>>)
    %dma_wait3A_134 = arith.constant 0 : i32
    %dma_wait3A_135 = tpu.memref_slice %arg2[%add3A_4, %dma_wait3A_134] : memref<64x4096xf32, #tpu.memory_space<hbm>> -> memref<1x4096xf32, #tpu.memory_space<hbm>>
    %dma_wait3A_136 = tpu.memref_squeeze %dma_wait3A_135 : memref<1x4096xf32, #tpu.memory_space<hbm>> -> memref<4096xf32, #tpu.memory_space<hbm>>
    %dma_wait3A_137 = arith.constant 0 : i32
    %dma_wait3A_138 = tpu.memref_slice %arg2[%add3A_4, %dma_wait3A_137] : memref<64x4096xf32, #tpu.memory_space<hbm>> -> memref<1x4096xf32, #tpu.memory_space<hbm>>
    %dma_wait3A_139 = tpu.memref_squeeze %dma_wait3A_138 : memref<1x4096xf32, #tpu.memory_space<hbm>> -> memref<4096xf32, #tpu.memory_space<hbm>>
    tpu.wait_dma2 semaphore(%arg12 : memref<!tpu.dma_semaphore, #tpu.memory_space<semaphore_mem>>) src(%dma_wait3A_139 : memref<4096xf32, #tpu.memory_space<hbm>>) dst(%arg5 : memref<4096xf32, #tpu.memory_space<vmem>>)
    %scan3A_140 = arith.constant 0 : i32
    %scan3A_141 = arith.constant 32 : i32
    %scan3A_142 = arith.addi %scan3A_140, %scan3A_141 : i32
    %scan3A_143 = arith.constant 1 : i32
    %scan3A_144:2 = scf.for %scan3A_238 = %scan3A_140 to %scan3A_142 step %scan3A_143 iter_args(%scan3A_239 = %broadcast_in_dim3A_34, %scan3A_240 = %broadcast_in_dim3A_34) -> (vector<16xf32>, vector<16xf32>)  : i32 {
      %mul3A_241 = arith.constant 128 : i32
      %mul3A_242 = arith.muli %scan3A_238, %mul3A_241 : i32
      %add3A_243 = arith.constant 0 : i32
      %add3A_244 = arith.addi %mul3A_242, %add3A_243 : i32
      %get3A = arith.index_cast %add3A_244 : i32 to index
      %get3A_245 = tpu.vector_load %arg5[%get3A] {strides = array<i32>} : memref<4096xf32, #tpu.memory_space<vmem>>, vector<16xf32>,
      %add3A_246 = arith.constant 16 : i32
      %add3A_247 = arith.addi %mul3A_242, %add3A_246 : i32
      %get3A_248 = arith.index_cast %add3A_247 : i32 to index
      %get3A_249 = tpu.vector_load %arg5[%get3A_248] {strides = array<i32>} : memref<4096xf32, #tpu.memory_space<vmem>>, vector<16xf32>,
      %add3A_250 = arith.constant 32 : i32
      %add3A_251 = arith.addi %mul3A_242, %add3A_250 : i32
      %get3A_252 = arith.index_cast %add3A_251 : i32 to index
      %get3A_253 = tpu.vector_load %arg5[%get3A_252] {strides = array<i32>} : memref<4096xf32, #tpu.memory_space<vmem>>, vector<16xf32>,
      %add3A_254 = arith.constant 48 : i32
      %add3A_255 = arith.addi %mul3A_242, %add3A_254 : i32
      %get3A_256 = arith.index_cast %add3A_255 : i32 to index
      %get3A_257 = tpu.vector_load %arg5[%get3A_256] {strides = array<i32>} : memref<4096xf32, #tpu.memory_space<vmem>>, vector<16xf32>,
      %add3A_258 = arith.constant 64 : i32
      %add3A_259 = arith.addi %mul3A_242, %add3A_258 : i32
      %get3A_260 = arith.index_cast %add3A_259 : i32 to index
      %get3A_261 = tpu.vector_load %arg5[%get3A_260] {strides = array<i32>} : memref<4096xf32, #tpu.memory_space<vmem>>, vector<16xf32>,
      %add3A_262 = arith.constant 80 : i32
      %add3A_263 = arith.addi %mul3A_242, %add3A_262 : i32
      %get3A_264 = arith.index_cast %add3A_263 : i32 to index
      %get3A_265 = tpu.vector_load %arg5[%get3A_264] {strides = array<i32>} : memref<4096xf32, #tpu.memory_space<vmem>>, vector<16xf32>,
      %add3A_266 = arith.constant 96 : i32
      %add3A_267 = arith.addi %mul3A_242, %add3A_266 : i32
      %get3A_268 = arith.index_cast %add3A_267 : i32 to index
      %get3A_269 = tpu.vector_load %arg5[%get3A_268] {strides = array<i32>} : memref<4096xf32, #tpu.memory_space<vmem>>, vector<16xf32>,
      %add3A_270 = arith.constant 112 : i32
      %add3A_271 = arith.addi %mul3A_242, %add3A_270 : i32
      %get3A_272 = arith.index_cast %add3A_271 : i32 to index
      %get3A_273 = tpu.vector_load %arg5[%get3A_272] {strides = array<i32>} : memref<4096xf32, #tpu.memory_space<vmem>>, vector<16xf32>,
      %max3A_274 = arith.maximumf %scan3A_239, %get3A_245 : vector<16xf32>
      %max3A_275 = arith.maximumf %max3A_274, %get3A_249 : vector<16xf32>
      %max3A_276 = arith.maximumf %max3A_275, %get3A_253 : vector<16xf32>
      %max3A_277 = arith.maximumf %max3A_276, %get3A_257 : vector<16xf32>
      %max3A_278 = arith.maximumf %scan3A_240, %get3A_261 : vector<16xf32>
      %max3A_279 = arith.maximumf %max3A_278, %get3A_265 : vector<16xf32>
      %max3A_280 = arith.maximumf %max3A_279, %get3A_269 : vector<16xf32>
      %max3A_281 = arith.maximumf %max3A_280, %get3A_273 : vector<16xf32>
      scf.yield %max3A_277, %max3A_281 : vector<16xf32>, vector<16xf32>
    }
    %scan3A_145 = arith.constant 32 : i32
    %max3A_146 = arith.maximumf %scan3A_144#0, %scan3A_144#1 : vector<16xf32>
    %reduce_max3A_147 = arith.constant true
    %reduce_max3A_148 = vector.broadcast %reduce_max3A_147 : i1 to vector<16xi1>
    %reduce_max3A_149 = tpu.scan <max>, %max3A_146 masked %reduce_max3A_148 : vector<16xf32>, vector<16xi1> -> vector<16xf32>
    %reduce_max3A_150 = vector.extract %reduce_max3A_149[15] : f32 from vector<16xf32>
    %broadcast_in_dim3A_151 = vector.broadcast %reduce_max3A_150 : f32 to vector<16xf32>
    %scan3A_152 = arith.constant 0 : i32
    %scan3A_153 = arith.constant 0 : i32
    %scan3A_154 = arith.constant 32 : i32
    %scan3A_155 = arith.addi %scan3A_153, %scan3A_154 : i32
    %scan3A_156 = arith.constant 1 : i32
    %scan3A_157 = scf.for %scan3A_238 = %scan3A_153 to %scan3A_155 step %scan3A_156 iter_args(%scan3A_239 = %scan3A_152) -> (i32)  : i32 {
      %mul3A_240 = arith.constant 128 : i32
      %mul3A_241 = arith.muli %scan3A_238, %mul3A_240 : i32
      %add3A_242 = arith.constant 0 : i32
      %add3A_243 = arith.addi %mul3A_241, %add3A_242 : i32
      %get3A = arith.index_cast %add3A_243 : i32 to index
      %get3A_244 = tpu.vector_load %arg5[%get3A] {strides = array<i32>} : memref<4096xf32, #tpu.memory_space<vmem>>, vector<16xf32>,
      %sub3A_245 = arith.subf %get3A_244, %broadcast_in_dim3A_151 : vector<16xf32>
      %add3A_246 = arith.constant 16 : i32
      %add3A_247 = arith.addi %mul3A_241, %add3A_246 : i32
      %get3A_248 = arith.index_cast %add3A_247 : i32 to index
      %get3A_249 = tpu.vector_load %arg5[%get3A_248] {strides = array<i32>} : memref<4096xf32, #tpu.memory_space<vmem>>, vector<16xf32>,
      %sub3A_250 = arith.subf %get3A_249, %broadcast_in_dim3A_151 : vector<16xf32>
      %add3A_251 = arith.constant 32 : i32
      %add3A_252 = arith.addi %mul3A_241, %add3A_251 : i32
      %get3A_253 = arith.index_cast %add3A_252 : i32 to index
      %get3A_254 = tpu.vector_load %arg5[%get3A_253] {strides = array<i32>} : memref<4096xf32, #tpu.memory_space<vmem>>, vector<16xf32>,
      %sub3A_255 = arith.subf %get3A_254, %broadcast_in_dim3A_151 : vector<16xf32>
      %add3A_256 = arith.constant 48 : i32
      %add3A_257 = arith.addi %mul3A_241, %add3A_256 : i32
      %get3A_258 = arith.index_cast %add3A_257 : i32 to index
      %get3A_259 = tpu.vector_load %arg5[%get3A_258] {strides = array<i32>} : memref<4096xf32, #tpu.memory_space<vmem>>, vector<16xf32>,
      %sub3A_260 = arith.subf %get3A_259, %broadcast_in_dim3A_151 : vector<16xf32>
      %add3A_261 = arith.constant 64 : i32
      %add3A_262 = arith.addi %mul3A_241, %add3A_261 : i32
      %get3A_263 = arith.index_cast %add3A_262 : i32 to index
      %get3A_264 = tpu.vector_load %arg5[%get3A_263] {strides = array<i32>} : memref<4096xf32, #tpu.memory_space<vmem>>, vector<16xf32>,
      %sub3A_265 = arith.subf %get3A_264, %broadcast_in_dim3A_151 : vector<16xf32>
      %add3A_266 = arith.constant 80 : i32
      %add3A_267 = arith.addi %mul3A_241, %add3A_266 : i32
      %get3A_268 = arith.index_cast %add3A_267 : i32 to index
      %get3A_269 = tpu.vector_load %arg5[%get3A_268] {strides = array<i32>} : memref<4096xf32, #tpu.memory_space<vmem>>, vector<16xf32>,
      %sub3A_270 = arith.subf %get3A_269, %broadcast_in_dim3A_151 : vector<16xf32>
      %add3A_271 = arith.constant 96 : i32
      %add3A_272 = arith.addi %mul3A_241, %add3A_271 : i32
      %get3A_273 = arith.index_cast %add3A_272 : i32 to index
      %get3A_274 = tpu.vector_load %arg5[%get3A_273] {strides = array<i32>} : memref<4096xf32, #tpu.memory_space<vmem>>, vector<16xf32>,
      %sub3A_275 = arith.subf %get3A_274, %broadcast_in_dim3A_151 : vector<16xf32>
      %add3A_276 = arith.constant 112 : i32
      %add3A_277 = arith.addi %mul3A_241, %add3A_276 : i32
      %get3A_278 = arith.index_cast %add3A_277 : i32 to index
      %get3A_279 = tpu.vector_load %arg5[%get3A_278] {strides = array<i32>} : memref<4096xf32, #tpu.memory_space<vmem>>, vector<16xf32>,
      %sub3A_280 = arith.subf %get3A_279, %broadcast_in_dim3A_151 : vector<16xf32>
      %gt3A = arith.constant -1.000000e+00 : f32
      %gt3A_281 = vector.broadcast %gt3A : f32 to vector<16xf32>
      %gt3A_282 = arith.cmpf ogt, %sub3A_245, %gt3A_281 : vector<16xf32>
      %gt3A_283 = arith.constant -1.000000e+00 : f32
      %gt3A_284 = vector.broadcast %gt3A_283 : f32 to vector<16xf32>
      %gt3A_285 = arith.cmpf ogt, %sub3A_250, %gt3A_284 : vector<16xf32>
      %gt3A_286 = arith.constant -1.000000e+00 : f32
      %gt3A_287 = vector.broadcast %gt3A_286 : f32 to vector<16xf32>
      %gt3A_288 = arith.cmpf ogt, %sub3A_255, %gt3A_287 : vector<16xf32>
      %gt3A_289 = arith.constant -1.000000e+00 : f32
      %gt3A_290 = vector.broadcast %gt3A_289 : f32 to vector<16xf32>
      %gt3A_291 = arith.cmpf ogt, %sub3A_260, %gt3A_290 : vector<16xf32>
      %gt3A_292 = arith.constant -1.000000e+00 : f32
      %gt3A_293 = vector.broadcast %gt3A_292 : f32 to vector<16xf32>
      %gt3A_294 = arith.cmpf ogt, %sub3A_265, %gt3A_293 : vector<16xf32>
      %gt3A_295 = arith.constant -1.000000e+00 : f32
      %gt3A_296 = vector.broadcast %gt3A_295 : f32 to vector<16xf32>
      %gt3A_297 = arith.cmpf ogt, %sub3A_270, %gt3A_296 : vector<16xf32>
      %gt3A_298 = arith.constant -1.000000e+00 : f32
      %gt3A_299 = vector.broadcast %gt3A_298 : f32 to vector<16xf32>
      %gt3A_300 = arith.cmpf ogt, %sub3A_275, %gt3A_299 : vector<16xf32>
      %gt3A_301 = arith.constant -1.000000e+00 : f32
      %gt3A_302 = vector.broadcast %gt3A_301 : f32 to vector<16xf32>
      %gt3A_303 = arith.cmpf ogt, %sub3A_280, %gt3A_302 : vector<16xf32>
      %all_reduce_population_count3A = tpu.all_reduce %gt3A_282 {dim = 0 : i64, kind = #tpu.reduction_kind<sum>} : vector<16xi1> -> vector<16xi32>
      %slice3A = vector.extract_strided_slice %all_reduce_population_count3A {offsets = [0], sizes = [1], strides = [1]} : vector<16xi32> to vector<1xi32>
      %squeeze3A = vector.extract %slice3A[0] : i32 from vector<1xi32>
      %all_reduce_population_count3A_304 = tpu.all_reduce %gt3A_285 {dim = 0 : i64, kind = #tpu.reduction_kind<sum>} : vector<16xi1> -> vector<16xi32>
      %slice3A_305 = vector.extract_strided_slice %all_reduce_population_count3A_304 {offsets = [0], sizes = [1], strides = [1]} : vector<16xi32> to vector<1xi32>
      %squeeze3A_306 = vector.extract %slice3A_305[0] : i32 from vector<1xi32>
      %all_reduce_population_count3A_307 = tpu.all_reduce %gt3A_288 {dim = 0 : i64, kind = #tpu.reduction_kind<sum>} : vector<16xi1> -> vector<16xi32>
      %slice3A_308 = vector.extract_strided_slice %all_reduce_population_count3A_307 {offsets = [0], sizes = [1], strides = [1]} : vector<16xi32> to vector<1xi32>
      %squeeze3A_309 = vector.extract %slice3A_308[0] : i32 from vector<1xi32>
      %all_reduce_population_count3A_310 = tpu.all_reduce %gt3A_291 {dim = 0 : i64, kind = #tpu.reduction_kind<sum>} : vector<16xi1> -> vector<16xi32>
      %slice3A_311 = vector.extract_strided_slice %all_reduce_population_count3A_310 {offsets = [0], sizes = [1], strides = [1]} : vector<16xi32> to vector<1xi32>
      %squeeze3A_312 = vector.extract %slice3A_311[0] : i32 from vector<1xi32>
      %all_reduce_population_count3A_313 = tpu.all_reduce %gt3A_294 {dim = 0 : i64, kind = #tpu.reduction_kind<sum>} : vector<16xi1> -> vector<16xi32>
      %slice3A_314 = vector.extract_strided_slice %all_reduce_population_count3A_313 {offsets = [0], sizes = [1], strides = [1]} : vector<16xi32> to vector<1xi32>
      %squeeze3A_315 = vector.extract %slice3A_314[0] : i32 from vector<1xi32>
      %all_reduce_population_count3A_316 = tpu.all_reduce %gt3A_297 {dim = 0 : i64, kind = #tpu.reduction_kind<sum>} : vector<16xi1> -> vector<16xi32>
      %slice3A_317 = vector.extract_strided_slice %all_reduce_population_count3A_316 {offsets = [0], sizes = [1], strides = [1]} : vector<16xi32> to vector<1xi32>
      %squeeze3A_318 = vector.extract %slice3A_317[0] : i32 from vector<1xi32>
      %all_reduce_population_count3A_319 = tpu.all_reduce %gt3A_300 {dim = 0 : i64, kind = #tpu.reduction_kind<sum>} : vector<16xi1> -> vector<16xi32>
      %slice3A_320 = vector.extract_strided_slice %all_reduce_population_count3A_319 {offsets = [0], sizes = [1], strides = [1]} : vector<16xi32> to vector<1xi32>
      %squeeze3A_321 = vector.extract %slice3A_320[0] : i32 from vector<1xi32>
      %all_reduce_population_count3A_322 = tpu.all_reduce %gt3A_303 {dim = 0 : i64, kind = #tpu.reduction_kind<sum>} : vector<16xi1> -> vector<16xi32>
      %slice3A_323 = vector.extract_strided_slice %all_reduce_population_count3A_322 {offsets = [0], sizes = [1], strides = [1]} : vector<16xi32> to vector<1xi32>
      %squeeze3A_324 = vector.extract %slice3A_323[0] : i32 from vector<1xi32>
      %add3A_325 = arith.addi %scan3A_239, %squeeze3A : i32
      %add3A_326 = arith.addi %add3A_325, %squeeze3A_306 : i32
      %add3A_327 = arith.addi %add3A_326, %squeeze3A_309 : i32
      %add3A_328 = arith.addi %add3A_327, %squeeze3A_312 : i32
      %add3A_329 = arith.addi %add3A_328, %squeeze3A_315 : i32
      %add3A_330 = arith.addi %add3A_329, %squeeze3A_318 : i32
      %add3A_331 = arith.addi %add3A_330, %squeeze3A_321 : i32
      %add3A_332 = arith.addi %add3A_331, %squeeze3A_324 : i32
      %swap3A_333 = arith.index_cast %scan3A_239 : i32 to index
      %swap3A_334 = tpu.vector_load %arg6[%swap3A_333] masked %gt3A_282 {strides = array<i32>} : memref<4112xf32, #tpu.memory_space<vmem>>, vector<16xf32>, vector<16xi1>
      tpu.vector_store %arg6[%swap3A_333], %sub3A_245 masked %gt3A_282 {strides = array<i32>} : memref<4112xf32, #tpu.memory_space<vmem>>, vector<16xf32>, vector<16xi1>
      %add3A_335 = arith.constant 0 : i32
      %add3A_336 = arith.addi %mul3A_241, %add3A_335 : i32
      %add3A_337 = vector.broadcast %add3A_336 : i32 to vector<16xi32>
      %add3A_338 = arith.addi %iota3A, %add3A_337 : vector<16xi32>
      %swap3A_339 = arith.index_cast %scan3A_239 : i32 to index
      %swap3A_340 = tpu.vector_load %arg7[%swap3A_339] masked %gt3A_282 {strides = array<i32>} : memref<4112xi32, #tpu.memory_space<vmem>>, vector<16xi32>, vector<16xi1>
      tpu.vector_store %arg7[%swap3A_339], %add3A_338 masked %gt3A_282 {strides = array<i32>} : memref<4112xi32, #tpu.memory_space<vmem>>, vector<16xi32>, vector<16xi1>
      %swap3A_341 = arith.index_cast %add3A_325 : i32 to index
      %swap3A_342 = tpu.vector_load %arg6[%swap3A_341] masked %gt3A_285 {strides = array<i32>} : memref<4112xf32, #tpu.memory_space<vmem>>, vector<16xf32>, vector<16xi1>
      tpu.vector_store %arg6[%swap3A_341], %sub3A_250 masked %gt3A_285 {strides = array<i32>} : memref<4112xf32, #tpu.memory_space<vmem>>, vector<16xf32>, vector<16xi1>
      %add3A_343 = arith.constant 16 : i32
      %add3A_344 = arith.addi %mul3A_241, %add3A_343 : i32
      %add3A_345 = vector.broadcast %add3A_344 : i32 to vector<16xi32>
      %add3A_346 = arith.addi %iota3A, %add3A_345 : vector<16xi32>
      %swap3A_347 = arith.index_cast %add3A_325 : i32 to index
      %swap3A_348 = tpu.vector_load %arg7[%swap3A_347] masked %gt3A_285 {strides = array<i32>} : memref<4112xi32, #tpu.memory_space<vmem>>, vector<16xi32>, vector<16xi1>
      tpu.vector_store %arg7[%swap3A_347], %add3A_346 masked %gt3A_285 {strides = array<i32>} : memref<4112xi32, #tpu.memory_space<vmem>>, vector<16xi32>, vector<16xi1>
      %swap3A_349 = arith.index_cast %add3A_326 : i32 to index
      %swap3A_350 = tpu.vector_load %arg6[%swap3A_349] masked %gt3A_288 {strides = array<i32>} : memref<4112xf32, #tpu.memory_space<vmem>>, vector<16xf32>, vector<16xi1>
      tpu.vector_store %arg6[%swap3A_349], %sub3A_255 masked %gt3A_288 {strides = array<i32>} : memref<4112xf32, #tpu.memory_space<vmem>>, vector<16xf32>, vector<16xi1>
      %add3A_351 = arith.constant 32 : i32
      %add3A_352 = arith.addi %mul3A_241, %add3A_351 : i32
      %add3A_353 = vector.broadcast %add3A_352 : i32 to vector<16xi32>
      %add3A_354 = arith.addi %iota3A, %add3A_353 : vector<16xi32>
      %swap3A_355 = arith.index_cast %add3A_326 : i32 to index
      %swap3A_356 = tpu.vector_load %arg7[%swap3A_355] masked %gt3A_288 {strides = array<i32>} : memref<4112xi32, #tpu.memory_space<vmem>>, vector<16xi32>, vector<16xi1>
      tpu.vector_store %arg7[%swap3A_355], %add3A_354 masked %gt3A_288 {strides = array<i32>} : memref<4112xi32, #tpu.memory_space<vmem>>, vector<16xi32>, vector<16xi1>
      %swap3A_357 = arith.index_cast %add3A_327 : i32 to index
      %swap3A_358 = tpu.vector_load %arg6[%swap3A_357] masked %gt3A_291 {strides = array<i32>} : memref<4112xf32, #tpu.memory_space<vmem>>, vector<16xf32>, vector<16xi1>
      tpu.vector_store %arg6[%swap3A_357], %sub3A_260 masked %gt3A_291 {strides = array<i32>} : memref<4112xf32, #tpu.memory_space<vmem>>, vector<16xf32>, vector<16xi1>
      %add3A_359 = arith.constant 48 : i32
      %add3A_360 = arith.addi %mul3A_241, %add3A_359 : i32
      %add3A_361 = vector.broadcast %add3A_360 : i32 to vector<16xi32>
      %add3A_362 = arith.addi %iota3A, %add3A_361 : vector<16xi32>
      %swap3A_363 = arith.index_cast %add3A_327 : i32 to index
      %swap3A_364 = tpu.vector_load %arg7[%swap3A_363] masked %gt3A_291 {strides = array<i32>} : memref<4112xi32, #tpu.memory_space<vmem>>, vector<16xi32>, vector<16xi1>
      tpu.vector_store %arg7[%swap3A_363], %add3A_362 masked %gt3A_291 {strides = array<i32>} : memref<4112xi32, #tpu.memory_space<vmem>>, vector<16xi32>, vector<16xi1>
      %swap3A_365 = arith.index_cast %add3A_328 : i32 to index
      %swap3A_366 = tpu.vector_load %arg6[%swap3A_365] masked %gt3A_294 {strides = array<i32>} : memref<4112xf32, #tpu.memory_space<vmem>>, vector<16xf32>, vector<16xi1>
      tpu.vector_store %arg6[%swap3A_365], %sub3A_265 masked %gt3A_294 {strides = array<i32>} : memref<4112xf32, #tpu.memory_space<vmem>>, vector<16xf32>, vector<16xi1>
      %add3A_367 = arith.constant 64 : i32
      %add3A_368 = arith.addi %mul3A_241, %add3A_367 : i32
      %add3A_369 = vector.broadcast %add3A_368 : i32 to vector<16xi32>
      %add3A_370 = arith.addi %iota3A, %add3A_369 : vector<16xi32>
      %swap3A_371 = arith.index_cast %add3A_328 : i32 to index
      %swap3A_372 = tpu.vector_load %arg7[%swap3A_371] masked %gt3A_294 {strides = array<i32>} : memref<4112xi32, #tpu.memory_space<vmem>>, vector<16xi32>, vector<16xi1>
      tpu.vector_store %arg7[%swap3A_371], %add3A_370 masked %gt3A_294 {strides = array<i32>} : memref<4112xi32, #tpu.memory_space<vmem>>, vector<16xi32>, vector<16xi1>
      %swap3A_373 = arith.index_cast %add3A_329 : i32 to index
      %swap3A_374 = tpu.vector_load %arg6[%swap3A_373] masked %gt3A_297 {strides = array<i32>} : memref<4112xf32, #tpu.memory_space<vmem>>, vector<16xf32>, vector<16xi1>
      tpu.vector_store %arg6[%swap3A_373], %sub3A_270 masked %gt3A_297 {strides = array<i32>} : memref<4112xf32, #tpu.memory_space<vmem>>, vector<16xf32>, vector<16xi1>
      %add3A_375 = arith.constant 80 : i32
      %add3A_376 = arith.addi %mul3A_241, %add3A_375 : i32
      %add3A_377 = vector.broadcast %add3A_376 : i32 to vector<16xi32>
      %add3A_378 = arith.addi %iota3A, %add3A_377 : vector<16xi32>
      %swap3A_379 = arith.index_cast %add3A_329 : i32 to index
      %swap3A_380 = tpu.vector_load %arg7[%swap3A_379] masked %gt3A_297 {strides = array<i32>} : memref<4112xi32, #tpu.memory_space<vmem>>, vector<16xi32>, vector<16xi1>
      tpu.vector_store %arg7[%swap3A_379], %add3A_378 masked %gt3A_297 {strides = array<i32>} : memref<4112xi32, #tpu.memory_space<vmem>>, vector<16xi32>, vector<16xi1>
      %swap3A_381 = arith.index_cast %add3A_330 : i32 to index
      %swap3A_382 = tpu.vector_load %arg6[%swap3A_381] masked %gt3A_300 {strides = array<i32>} : memref<4112xf32, #tpu.memory_space<vmem>>, vector<16xf32>, vector<16xi1>
      tpu.vector_store %arg6[%swap3A_381], %sub3A_275 masked %gt3A_300 {strides = array<i32>} : memref<4112xf32, #tpu.memory_space<vmem>>, vector<16xf32>, vector<16xi1>
      %add3A_383 = arith.constant 96 : i32
      %add3A_384 = arith.addi %mul3A_241, %add3A_383 : i32
      %add3A_385 = vector.broadcast %add3A_384 : i32 to vector<16xi32>
      %add3A_386 = arith.addi %iota3A, %add3A_385 : vector<16xi32>
      %swap3A_387 = arith.index_cast %add3A_330 : i32 to index
      %swap3A_388 = tpu.vector_load %arg7[%swap3A_387] masked %gt3A_300 {strides = array<i32>} : memref<4112xi32, #tpu.memory_space<vmem>>, vector<16xi32>, vector<16xi1>
      tpu.vector_store %arg7[%swap3A_387], %add3A_386 masked %gt3A_300 {strides = array<i32>} : memref<4112xi32, #tpu.memory_space<vmem>>, vector<16xi32>, vector<16xi1>
      %swap3A_389 = arith.index_cast %add3A_331 : i32 to index
      %swap3A_390 = tpu.vector_load %arg6[%swap3A_389] masked %gt3A_303 {strides = array<i32>} : memref<4112xf32, #tpu.memory_space<vmem>>, vector<16xf32>, vector<16xi1>
      tpu.vector_store %arg6[%swap3A_389], %sub3A_280 masked %gt3A_303 {strides = array<i32>} : memref<4112xf32, #tpu.memory_space<vmem>>, vector<16xf32>, vector<16xi1>
      %add3A_391 = arith.constant 112 : i32
      %add3A_392 = arith.addi %mul3A_241, %add3A_391 : i32
      %add3A_393 = vector.broadcast %add3A_392 : i32 to vector<16xi32>
      %add3A_394 = arith.addi %iota3A, %add3A_393 : vector<16xi32>
      %swap3A_395 = arith.index_cast %add3A_331 : i32 to index
      %swap3A_396 = tpu.vector_load %arg7[%swap3A_395] masked %gt3A_303 {strides = array<i32>} : memref<4112xi32, #tpu.memory_space<vmem>>, vector<16xi32>, vector<16xi1>
      tpu.vector_store %arg7[%swap3A_395], %add3A_394 masked %gt3A_303 {strides = array<i32>} : memref<4112xi32, #tpu.memory_space<vmem>>, vector<16xi32>, vector<16xi1>
      scf.yield %add3A_332 : i32
    }
    %scan3A_158 = arith.constant 32 : i32
    %swap3A_159 = arith.index_cast %scan3A_157 : i32 to index
    %swap3A_160 = tpu.vector_load %arg6[%swap3A_159] {strides = array<i32>} : memref<4112xf32, #tpu.memory_space<vmem>>, vector<16xf32>,
    tpu.vector_store %arg6[%swap3A_159], %broadcast_in_dim3A_34 {strides = array<i32>} : memref<4112xf32, #tpu.memory_space<vmem>>, vector<16xf32>,
    %broadcast_in_dim3A_161 = arith.constant 4096 : i32
    %broadcast_in_dim3A_162 = vector.broadcast %broadcast_in_dim3A_161 : i32 to vector<16xi32>
    %swap3A_163 = arith.index_cast %scan3A_157 : i32 to index
    %swap3A_164 = tpu.vector_load %arg7[%swap3A_163] {strides = array<i32>} : memref<4112xi32, #tpu.memory_space<vmem>>, vector<16xi32>,
    tpu.vector_store %arg7[%swap3A_163], %broadcast_in_dim3A_162 {strides = array<i32>} : memref<4112xi32, #tpu.memory_space<vmem>>, vector<16xi32>,
    %add3A_165 = arith.constant 15 : i32
    %add3A_166 = arith.addi %scan3A_157, %add3A_165 : i32
    %shift_right_logical3A_167 = arith.constant 4 : i32
    %shift_right_logical3A_168 = arith.shrui %add3A_166, %shift_right_logical3A_167 : i32
    %broadcast_in_dim3A_169 = arith.constant -1.000000e+00 : f32
    %broadcast_in_dim3A_170 = vector.broadcast %broadcast_in_dim3A_169 : f32 to vector<16xf32>
    %while3A_171 = arith.constant 0 : i32
    %while3A_172 = arith.subi %shift_right_logical3A_168, %while3A_171 : i32
    %while3A_173 = arith.addi %while3A_171, %while3A_172 : i32
    %while3A_174 = arith.constant 1 : i32
    %while3A_175 = arith.divsi %while3A_172, %while3A_174 : i32
    %while3A_176 = arith.muli %while3A_175, %while3A_174 : i32
    %while3A_177 = arith.addi %while3A_171, %while3A_176 : i32
    %while3A_178 = arith.constant 1 : i32
    %while3A_179:2 = scf.for %while3A_238 = %while3A_171 to %while3A_177 step %while3A_178 iter_args(%while3A_239 = %broadcast_in_dim3A_30, %while3A_240 = %broadcast_in_dim3A_32) -> (vector<16xf32>, vector<16xi32>)  : i32 {
      %mul3A_241 = arith.constant 16 : i32
      %mul3A_242 = arith.muli %while3A_238, %mul3A_241 : i32
      %get3A = arith.index_cast %mul3A_242 : i32 to index
      %get3A_243 = tpu.vector_load %arg6[%get3A] {strides = array<i32>} : memref<4112xf32, #tpu.memory_space<vmem>>, vector<16xf32>,
      %gt3A = arith.cmpf ogt, %get3A_243, %broadcast_in_dim3A_170 : vector<16xf32>
      %jit3A = arith.constant 0.000000e+00 : f32
      %broadcast_in_dim3A_244 = vector.broadcast %jit3A : f32 to vector<16xf32>
      %select_n3A = arith.select %gt3A, %get3A_243, %broadcast_in_dim3A_244 : vector<16xi1>, vector<16xf32>
      %add3A_245 = arith.addf %while3A_239, %select_n3A : vector<16xf32>
      %jit3A_246 = arith.constant 1 : i32
      %jit3A_247 = arith.constant 0 : i32
      %broadcast_in_dim3A_248 = vector.broadcast %jit3A_246 : i32 to vector<16xi32>
      %broadcast_in_dim3A_249 = vector.broadcast %jit3A_247 : i32 to vector<16xi32>
      %select_n3A_250 = arith.select %gt3A, %broadcast_in_dim3A_248, %broadcast_in_dim3A_249 : vector<16xi1>, vector<16xi32>
      %add3A_251 = arith.addi %while3A_240, %select_n3A_250 : vector<16xi32>
      scf.yield %add3A_245, %add3A_251 : vector<16xf32>, vector<16xi32>
    }
    %while3A_180 = arith.constant 1 : i32
    %while3A_181:2 = scf.for %while3A_238 = %while3A_177 to %while3A_173 step %while3A_180 iter_args(%while3A_239 = %while3A_179#0, %while3A_240 = %while3A_179#1) -> (vector<16xf32>, vector<16xi32>)  : i32 {
      %mul3A_241 = arith.constant 16 : i32
      %mul3A_242 = arith.muli %while3A_238, %mul3A_241 : i32
      %get3A = arith.index_cast %mul3A_242 : i32 to index
      %get3A_243 = tpu.vector_load %arg6[%get3A] {strides = array<i32>} : memref<4112xf32, #tpu.memory_space<vmem>>, vector<16xf32>,
      %gt3A = arith.cmpf ogt, %get3A_243, %broadcast_in_dim3A_170 : vector<16xf32>
      %jit3A = arith.constant 0.000000e+00 : f32
      %broadcast_in_dim3A_244 = vector.broadcast %jit3A : f32 to vector<16xf32>
      %select_n3A = arith.select %gt3A, %get3A_243, %broadcast_in_dim3A_244 : vector<16xi1>, vector<16xf32>
      %add3A_245 = arith.addf %while3A_239, %select_n3A : vector<16xf32>
      %jit3A_246 = arith.constant 1 : i32
      %jit3A_247 = arith.constant 0 : i32
      %broadcast_in_dim3A_248 = vector.broadcast %jit3A_246 : i32 to vector<16xi32>
      %broadcast_in_dim3A_249 = vector.broadcast %jit3A_247 : i32 to vector<16xi32>
      %select_n3A_250 = arith.select %gt3A, %broadcast_in_dim3A_248, %broadcast_in_dim3A_249 : vector<16xi1>, vector<16xi32>
      %add3A_251 = arith.addi %while3A_240, %select_n3A_250 : vector<16xi32>
      scf.yield %add3A_245, %add3A_251 : vector<16xf32>, vector<16xi32>
    }
    %reduce_sum3A_182 = arith.constant true
    %reduce_sum3A_183 = vector.broadcast %reduce_sum3A_182 : i1 to vector<16xi1>
    %reduce_sum3A_184 = tpu.scan <sum>, %while3A_181#1 masked %reduce_sum3A_183 : vector<16xi32>, vector<16xi1> -> vector<16xi32>
    %reduce_sum3A_185 = vector.extract %reduce_sum3A_184[15] : i32 from vector<16xi32>
    %reduce_sum3A_186 = arith.constant true
    %reduce_sum3A_187 = vector.broadcast %reduce_sum3A_186 : i1 to vector<16xi1>
    %reduce_sum3A_188 = tpu.scan <sum>, %while3A_181#0 masked %reduce_sum3A_187 : vector<16xf32>, vector<16xi1> -> vector<16xf32>
    %reduce_sum3A_189 = vector.extract %reduce_sum3A_188[15] : f32 from vector<16xf32>
    %sub3A_190 = arith.constant 1.000000e+00 : f32
    %sub3A_191 = arith.subf %reduce_sum3A_189, %sub3A_190 : f32
    %broadcast_in_dim3A_192 = vector.broadcast %sub3A_191 : f32 to vector<16xf32>
    %broadcast_in_dim3A_193 = vector.broadcast %reduce_sum3A_185 : i32 to vector<16xi32>
    %convert_element_type3A_194 = arith.sitofp %broadcast_in_dim3A_193 : vector<16xi32> to vector<16xf32>
    %div3A_195 = arith.divf %broadcast_in_dim3A_192, %convert_element_type3A_194 : vector<16xf32>
    %while3A_196 = arith.constant -1 : i32
    %while3A_197:3 = scf.while (%while3A_238 = %div3A_195, %while3A_239 = %while3A_196, %while3A_240 = %reduce_sum3A_185) : (vector<16xf32>, i32, i32) -> (vector<16xf32>, i32, i32) {
      %ne3A = arith.cmpi ne, %while3A_240, %while3A_239 : i32
      scf.condition(%ne3A) %while3A_238, %while3A_239, %while3A_240 : vector<16xf32>, i32, i32
    } do {
    ^bb0(%while3A_238: vector<16xf32>, %while3A_239: i32, %while3A_240: i32):
      %while3A_241 = arith.constant 0 : i32
      %while3A_242 = arith.subi %shift_right_logical3A_168, %while3A_241 : i32
      %while3A_243 = arith.addi %while3A_241, %while3A_242 : i32
      %while3A_244 = arith.constant 1 : i32
      %while3A_245 = arith.divsi %while3A_242, %while3A_244 : i32
      %while3A_246 = arith.muli %while3A_245, %while3A_244 : i32
      %while3A_247 = arith.addi %while3A_241, %while3A_246 : i32
      %while3A_248 = arith.constant 1 : i32
      %while3A_249:2 = scf.for %while3A_266 = %while3A_241 to %while3A_247 step %while3A_248 iter_args(%while3A_267 = %broadcast_in_dim3A_30, %while3A_268 = %broadcast_in_dim3A_32) -> (vector<16xf32>, vector<16xi32>)  : i32 {
        %mul3A_269 = arith.constant 16 : i32
        %mul3A_270 = arith.muli %while3A_266, %mul3A_269 : i32
        %get3A = arith.index_cast %mul3A_270 : i32 to index
        %get3A_271 = tpu.vector_load %arg6[%get3A] {strides = array<i32>} : memref<4112xf32, #tpu.memory_space<vmem>>, vector<16xf32>,
        %gt3A = arith.cmpf ogt, %get3A_271, %while3A_238 : vector<16xf32>
        %jit3A = arith.constant 0.000000e+00 : f32
        %broadcast_in_dim3A_272 = vector.broadcast %jit3A : f32 to vector<16xf32>
        %select_n3A = arith.select %gt3A, %get3A_271, %broadcast_in_dim3A_272 : vector<16xi1>, vector<16xf32>
        %add3A_273 = arith.addf %while3A_267, %select_n3A : vector<16xf32>
        %jit3A_274 = arith.constant 1 : i32
        %jit3A_275 = arith.constant 0 : i32
        %broadcast_in_dim3A_276 = vector.broadcast %jit3A_274 : i32 to vector<16xi32>
        %broadcast_in_dim3A_277 = vector.broadcast %jit3A_275 : i32 to vector<16xi32>
        %select_n3A_278 = arith.select %gt3A, %broadcast_in_dim3A_276, %broadcast_in_dim3A_277 : vector<16xi1>, vector<16xi32>
        %add3A_279 = arith.addi %while3A_268, %select_n3A_278 : vector<16xi32>
        scf.yield %add3A_273, %add3A_279 : vector<16xf32>, vector<16xi32>
      }
      %while3A_250 = arith.constant 1 : i32
      %while3A_251:2 = scf.for %while3A_266 = %while3A_247 to %while3A_243 step %while3A_250 iter_args(%while3A_267 = %while3A_249#0, %while3A_268 = %while3A_249#1) -> (vector<16xf32>, vector<16xi32>)  : i32 {
        %mul3A_269 = arith.constant 16 : i32
        %mul3A_270 = arith.muli %while3A_266, %mul3A_269 : i32
        %get3A = arith.index_cast %mul3A_270 : i32 to index
        %get3A_271 = tpu.vector_load %arg6[%get3A] {strides = array<i32>} : memref<4112xf32, #tpu.memory_space<vmem>>, vector<16xf32>,
        %gt3A = arith.cmpf ogt, %get3A_271, %while3A_238 : vector<16xf32>
        %jit3A = arith.constant 0.000000e+00 : f32
        %broadcast_in_dim3A_272 = vector.broadcast %jit3A : f32 to vector<16xf32>
        %select_n3A = arith.select %gt3A, %get3A_271, %broadcast_in_dim3A_272 : vector<16xi1>, vector<16xf32>
        %add3A_273 = arith.addf %while3A_267, %select_n3A : vector<16xf32>
        %jit3A_274 = arith.constant 1 : i32
        %jit3A_275 = arith.constant 0 : i32
        %broadcast_in_dim3A_276 = vector.broadcast %jit3A_274 : i32 to vector<16xi32>
        %broadcast_in_dim3A_277 = vector.broadcast %jit3A_275 : i32 to vector<16xi32>
        %select_n3A_278 = arith.select %gt3A, %broadcast_in_dim3A_276, %broadcast_in_dim3A_277 : vector<16xi1>, vector<16xi32>
        %add3A_279 = arith.addi %while3A_268, %select_n3A_278 : vector<16xi32>
        scf.yield %add3A_273, %add3A_279 : vector<16xf32>, vector<16xi32>
      }
      %reduce_sum3A_252 = arith.constant true
      %reduce_sum3A_253 = vector.broadcast %reduce_sum3A_252 : i1 to vector<16xi1>
      %reduce_sum3A_254 = tpu.scan <sum>, %while3A_251#1 masked %reduce_sum3A_253 : vector<16xi32>, vector<16xi1> -> vector<16xi32>
      %reduce_sum3A_255 = vector.extract %reduce_sum3A_254[15] : i32 from vector<16xi32>
      %reduce_sum3A_256 = arith.constant true
      %reduce_sum3A_257 = vector.broadcast %reduce_sum3A_256 : i1 to vector<16xi1>
      %reduce_sum3A_258 = tpu.scan <sum>, %while3A_251#0 masked %reduce_sum3A_257 : vector<16xf32>, vector<16xi1> -> vector<16xf32>
      %reduce_sum3A_259 = vector.extract %reduce_sum3A_258[15] : f32 from vector<16xf32>
      %sub3A_260 = arith.constant 1.000000e+00 : f32
      %sub3A_261 = arith.subf %reduce_sum3A_259, %sub3A_260 : f32
      %broadcast_in_dim3A_262 = vector.broadcast %sub3A_261 : f32 to vector<16xf32>
      %broadcast_in_dim3A_263 = vector.broadcast %reduce_sum3A_255 : i32 to vector<16xi32>
      %convert_element_type3A_264 = arith.sitofp %broadcast_in_dim3A_263 : vector<16xi32> to vector<16xf32>
      %div3A_265 = arith.divf %broadcast_in_dim3A_262, %convert_element_type3A_264 : vector<16xf32>
      scf.yield %div3A_265, %while3A_240, %reduce_sum3A_255 : vector<16xf32>, i32, i32
    }
    %while3A_198 = arith.constant 0 : i32
    %while3A_199 = arith.constant 0 : i32
    %while3A_200 = arith.subi %shift_right_logical3A_168, %while3A_199 : i32
    %while3A_201 = arith.addi %while3A_199, %while3A_200 : i32
    %while3A_202 = arith.constant 1 : i32
    %while3A_203 = arith.divsi %while3A_200, %while3A_202 : i32
    %while3A_204 = arith.muli %while3A_203, %while3A_202 : i32
    %while3A_205 = arith.addi %while3A_199, %while3A_204 : i32
    %while3A_206 = arith.constant 1 : i32
    scf.for %while3A_238 = %while3A_199 to %while3A_205 step %while3A_206  : i32 {
      %mul3A_239 = arith.constant 16 : i32
      %mul3A_240 = arith.muli %while3A_238, %mul3A_239 : i32
      %get3A = arith.index_cast %mul3A_240 : i32 to index
      %get3A_241 = tpu.vector_load %arg6[%get3A] {strides = array<i32>} : memref<4112xf32, #tpu.memory_space<vmem>>, vector<16xf32>,
      %sub3A_242 = arith.subf %get3A_241, %while3A_197#0 : vector<16xf32>
      %max3A_243 = arith.constant 0.000000e+00 : f32
      %max3A_244 = vector.broadcast %max3A_243 : f32 to vector<16xf32>
      %max3A_245 = arith.maximumf %sub3A_242, %max3A_244 : vector<16xf32>
      %get3A_246 = arith.index_cast %mul3A_240 : i32 to index
      %get3A_247 = tpu.vector_load %arg7[%get3A_246] {strides = array<i32>} : memref<4112xi32, #tpu.memory_space<vmem>>, vector<16xi32>,
      tpu.vector_store_idx %arg9[%get3A_247], %max3A_245 : memref<4112xf32, #tpu.memory_space<vmem>>[vector<16xi32>], vector<16xf32>,
    }
    %while3A_207 = arith.constant 1 : i32
    scf.for %while3A_238 = %while3A_205 to %while3A_201 step %while3A_207  : i32 {
      %mul3A_239 = arith.constant 16 : i32
      %mul3A_240 = arith.muli %while3A_238, %mul3A_239 : i32
      %get3A = arith.index_cast %mul3A_240 : i32 to index
      %get3A_241 = tpu.vector_load %arg6[%get3A] {strides = array<i32>} : memref<4112xf32, #tpu.memory_space<vmem>>, vector<16xf32>,
      %sub3A_242 = arith.subf %get3A_241, %while3A_197#0 : vector<16xf32>
      %max3A_243 = arith.constant 0.000000e+00 : f32
      %max3A_244 = vector.broadcast %max3A_243 : f32 to vector<16xf32>
      %max3A_245 = arith.maximumf %sub3A_242, %max3A_244 : vector<16xf32>
      %get3A_246 = arith.index_cast %mul3A_240 : i32 to index
      %get3A_247 = tpu.vector_load %arg7[%get3A_246] {strides = array<i32>} : memref<4112xi32, #tpu.memory_space<vmem>>, vector<16xi32>,
      tpu.vector_store_idx %arg9[%get3A_247], %max3A_245 : memref<4112xf32, #tpu.memory_space<vmem>>[vector<16xi32>], vector<16xf32>,
    }
    %dma_start3A_208 = arith.constant 0 : i32
    %dma_start3A_209 = tpu.memref_slice %arg9[%dma_start3A_208] : memref<4112xf32, #tpu.memory_space<vmem>> -> memref<4096xf32, #tpu.memory_space<vmem>>
    %dma_start3A_210 = arith.constant 0 : i32
    %dma_start3A_211 = tpu.memref_slice %arg3[%add3A_4, %dma_start3A_210] : memref<64x4096xf32, #tpu.memory_space<hbm>> -> memref<1x4096xf32, #tpu.memory_space<hbm>>
    %dma_start3A_212 = tpu.memref_squeeze %dma_start3A_211 : memref<1x4096xf32, #tpu.memory_space<hbm>> -> memref<4096xf32, #tpu.memory_space<hbm>>
    %dma_start3A_213 = arith.constant 0 : i32
    %dma_start3A_214 = tpu.memref_slice %arg3[%add3A_4, %dma_start3A_213] : memref<64x4096xf32, #tpu.memory_space<hbm>> -> memref<1x4096xf32, #tpu.memory_space<hbm>>
    %dma_start3A_215 = tpu.memref_squeeze %dma_start3A_214 : memref<1x4096xf32, #tpu.memory_space<hbm>> -> memref<4096xf32, #tpu.memory_space<hbm>>
    %dma_start3A_216 = arith.constant 0 : i32
    %dma_start3A_217 = tpu.memref_slice %arg9[%dma_start3A_216] : memref<4112xf32, #tpu.memory_space<vmem>> -> memref<4096xf32, #tpu.memory_space<vmem>>
    tpu.enqueue_dma source(%dma_start3A_217 : memref<4096xf32, #tpu.memory_space<vmem>>) target(%dma_start3A_215 : memref<4096xf32, #tpu.memory_space<hbm>>) target_semaphore(%arg14 : memref<!tpu.dma_semaphore, #tpu.memory_space<semaphore_mem>>)
    %dma_wait3A_218 = arith.constant 0 : i32
    %dma_wait3A_219 = tpu.memref_slice %arg8[%dma_wait3A_218] : memref<4112xf32, #tpu.memory_space<vmem>> -> memref<4096xf32, #tpu.memory_space<vmem>>
    %dma_wait3A_220 = arith.constant 0 : i32
    %dma_wait3A_221 = tpu.memref_slice %arg3[%mul3A_2, %dma_wait3A_220] : memref<64x4096xf32, #tpu.memory_space<hbm>> -> memref<1x4096xf32, #tpu.memory_space<hbm>>
    %dma_wait3A_222 = tpu.memref_squeeze %dma_wait3A_221 : memref<1x4096xf32, #tpu.memory_space<hbm>> -> memref<4096xf32, #tpu.memory_space<hbm>>
    %dma_wait3A_223 = arith.constant 0 : i32
    %dma_wait3A_224 = tpu.memref_slice %arg3[%mul3A_2, %dma_wait3A_223] : memref<64x4096xf32, #tpu.memory_space<hbm>> -> memref<1x4096xf32, #tpu.memory_space<hbm>>
    %dma_wait3A_225 = tpu.memref_squeeze %dma_wait3A_224 : memref<1x4096xf32, #tpu.memory_space<hbm>> -> memref<4096xf32, #tpu.memory_space<hbm>>
    %dma_wait3A_226 = arith.constant 0 : i32
    %dma_wait3A_227 = tpu.memref_slice %arg8[%dma_wait3A_226] : memref<4112xf32, #tpu.memory_space<vmem>> -> memref<4096xf32, #tpu.memory_space<vmem>>
    tpu.wait_dma2 semaphore(%arg13 : memref<!tpu.dma_semaphore, #tpu.memory_space<semaphore_mem>>) src(%dma_wait3A_227 : memref<4096xf32, #tpu.memory_space<vmem>>) dst(%dma_wait3A_225 : memref<4096xf32, #tpu.memory_space<hbm>>)
    %dma_wait3A_228 = arith.constant 0 : i32
    %dma_wait3A_229 = tpu.memref_slice %arg9[%dma_wait3A_228] : memref<4112xf32, #tpu.memory_space<vmem>> -> memref<4096xf32, #tpu.memory_space<vmem>>
    %dma_wait3A_230 = arith.constant 0 : i32
    %dma_wait3A_231 = tpu.memref_slice %arg3[%add3A_4, %dma_wait3A_230] : memref<64x4096xf32, #tpu.memory_space<hbm>> -> memref<1x4096xf32, #tpu.memory_space<hbm>>
    %dma_wait3A_232 = tpu.memref_squeeze %dma_wait3A_231 : memref<1x4096xf32, #tpu.memory_space<hbm>> -> memref<4096xf32, #tpu.memory_space<hbm>>
    %dma_wait3A_233 = arith.constant 0 : i32
    %dma_wait3A_234 = tpu.memref_slice %arg3[%add3A_4, %dma_wait3A_233] : memref<64x4096xf32, #tpu.memory_space<hbm>> -> memref<1x4096xf32, #tpu.memory_space<hbm>>
    %dma_wait3A_235 = tpu.memref_squeeze %dma_wait3A_234 : memref<1x4096xf32, #tpu.memory_space<hbm>> -> memref<4096xf32, #tpu.memory_space<hbm>>
    %dma_wait3A_236 = arith.constant 0 : i32
    %dma_wait3A_237 = tpu.memref_slice %arg9[%dma_wait3A_236] : memref<4112xf32, #tpu.memory_space<vmem>> -> memref<4096xf32, #tpu.memory_space<vmem>>
    tpu.wait_dma2 semaphore(%arg14 : memref<!tpu.dma_semaphore, #tpu.memory_space<semaphore_mem>>) src(%dma_wait3A_237 : memref<4096xf32, #tpu.memory_space<vmem>>) dst(%dma_wait3A_235 : memref<4096xf32, #tpu.memory_space<hbm>>)
    return
  }
}

</mosaic_0001>

<sc_bundles>
// kernel: kernel.3.cloned.1.call-start
scs
__scs_entry_jumppad:
0x0: {  	(pc) =	sbr.rel $0x88, $3  }
0x1: {  	(tag) =	ssettag $0x0;
	lr =	simm.s32 $0x1  }
0x2: {  	[smem:$0x3FA0] =	sst lr;
	_ =	strace $0xD0000000  }
0x3: {  	_ = 	snop  }
0x4: {  	_ = 	snop  }
0x5: {  	_ = 	snop  }
0x6: {  	_ = 	snop  }
0x7: {  	_ = 	snop  }
__scs_overlays_trampoline_lowered:
0x8: {  	[smem:$0x3FAF] =	sst s0  }
0x9: {  	[smem:$0x3FB0] =	sst s1  }
0xa: {  	[smem:$0x3FB1] =	sst s2  }
0xb: {  	[smem:$0x3FB2] =	sst s3  }
0xc: {  	[smem:$0x3FB3] =	sst s4  }
0xd: {  	[smem:$0x3FB4] =	sst s5  }
0xe: {  	[smem:$0x3FB5] =	sst s6  }
0xf: {  	[smem:$0x3FB6] =	sst s7  }
0x10: {  	[smem:$0x3FB7] =	sst s8  }
0x11: {  	[smem:$0x3FB8] =	sst s9;
	s0 =	simm.s32 @!p0 $0x0  }
0x12: {  	s1 =	sld [smem:$0x3F9E];
	s0 =	simm.s32 @p0 $0x1  }
0x13: {  	[smem:$0x3FB9] =	sst s0;
	s0 =	simm.s32 @!p1 $0x0  }
0x14: {  	s2 =	sld [smem:$0x3F9D];
	s0 =	simm.s32 @p1 $0x1  }
0x15: {  	[smem:$0x3FBA] =	sst s0;
	s0 =	simm.s32 @!p2 $0x0  }
0x16: {  	s3 =	sld [smem:$0x3FDB];
	s0 =	simm.s32 @p2 $0x1  }
0x17: {  	s4 =	simm.s32 $0x1BF5;
	[smem:$0x3FBC] =	sst s0  }
0x18: {  	s0 =	sld [smem:$0x3F9F];
	_ =	swait.ge [sflag:s4], $0x0  }
0x19: {  	s7 =	sld [smem:$0x3FA0]  }
0x1a: {  	s8 =	sadd.s32 $0xFFFFE003, lr  }
0x1b: {  	s9 =	sadd.s32 $0xFFFFFEF7, lr;
	s5 =	simm.s32 $0xFFFFFFFF;
	p2 =	slt.u32 s8, $0xFFFFF086  }
0x1c: {  	p1 =	slt.u32 s9, $0xF7A;
	s5 =	simm.s32 @!p2 $0x0  }
0x1d: {  	s5 =	simm.s32 @p1 $0x1;
	p0 =	seq.s32 s7, s2  }
0x1e: {  	s7 =	smul.u32 @!p0 $0xF7A, s2;
	p2 =	seq.s32 @!p0 s5, $0x0  }
0x1f: {  	s9 =	smul.u32 $0xF7A, s1;
	s8 =	simm.s32 @!p0 $0x1BF5;
	p2 =	por !p2, p0  }
0x20: {  	[sflag:s8] =	ssyncset.s32 @!p0 $0xFFFFF086;
	s6 =	sadd.s32 @!p0 s3, s7;
	s7 =	simm.s32 @!p0 $0x108  }
0x21: {  	s3 =	sadd.s32 s3, s9;
	s6 =	sadd.s32 @!p0 $0x88, s6;
	s7 =	simm.s32 @p2 $0x1082  }
0x22: {  	[simem:s7], [sflag:s8] =	dma.local @!p0 [hbm:s6], $0xF7A  }
0x23: {  	s9 =	sor.u32 $0xD0000000, s2;
	s6 =	simm.s32 $0x108;
	_ =	swait.ge @!p0 [sflag:s8], $0x0  }
0x24: {  	s3 =	sadd.s32 $0x88, s3;
	s6 =	simm.s32 @!p1 $0x1082;
	[sflag:s4] =	ssyncset.s32 $0xFFFFF086  }
0x25: {  	[simem:s6], [sflag:s4] =	dma.local [hbm:s3], $0xF7A  }
0x26: {  	[smem:$0x3FA0] =	sst s1;
	(tag) =	ssettag s2;
	_ =	strace s9  }
0x27: {  	s1 =	sld [smem:$0x3FB0]  }
0x28: {  	s2 =	sld [smem:$0x3FB1]  }
0x29: {  	s4 =	sld [smem:$0x3FB3]  }
0x2a: {  	p0 =	seq.s32 s5, $0x0;
	s5 =	sld [smem:$0x3FB4]  }
0x2b: {  	s6 =	sld [smem:$0x3FB5]  }
0x2c: {  	s7 =	sld [smem:$0x3FB6]  }
0x2d: {  	s3 =	simm.s32 $0x108;
	s8 =	sld [smem:$0x3FB7]  }
0x2e: {  	s3 =	simm.s32 @!p0 $0x1082;
	s9 =	sld [smem:$0x3FB8]  }
0x2f: {  	lr =	sadd.s32 s0, s3;
	s0 =	sld [smem:$0x3FAF]  }
0x30: {  	s3 =	sld [smem:$0x3FB2]  }
0x31: {  	[smem:$0x3FBB] =	sst s10  }
0x32: {  	s10 =	sld [smem:$0x3FB9];
	_ =	sdelay $0x3  }
0x33: {  	p0 =	seq.s32 s10, $0x1;
	s10 =	sld [smem:$0x3FBB];
	_ =	sdelay $0x3  }
0x34: {  	[smem:$0x3FBB] =	sst s10  }
0x35: {  	s10 =	sld [smem:$0x3FBA];
	_ =	sdelay $0x3  }
0x36: {  	p1 =	seq.s32 s10, $0x1;
	s10 =	sld [smem:$0x3FBB];
	_ =	sdelay $0x3  }
0x37: {  	[smem:$0x3FBB] =	sst s10  }
0x38: {  	s10 =	sld [smem:$0x3FBC]  }
0x39: {  	_ = 	snop;
	(pc) =	sbr.ind lr, $3  }
0x3a: {  	_ = 	snop  }
0x3b: {  	_ = 	snop  }
0x3c: {  	p2 =	seq.s32 s10, $0x1;
	s10 =	sld [smem:$0x3FBB]  }
0x3d: {  	_ =	shalt  }
0x3e: {  	_ =	shalt  }
0x3f: {  	_ =	shalt  }
0x40: {  	_ =	shalt  }
0x41: {  	_ =	shalt  }
0x42: {  	_ =	shalt  }
0x43: {  	_ =	shalt  }
0x44: {  	_ =	shalt  }
0x45: {  	_ =	shalt  }
0x46: {  	_ =	shalt  }
0x47: {  	_ =	shalt  }
0x48: {  	_ =	shalt  }
0x49: {  	_ =	shalt  }
0x4a: {  	_ =	shalt  }
0x4b: {  	_ =	shalt  }
0x4c: {  	_ =	shalt  }
0x4d: {  	_ =	shalt  }
0x4e: {  	_ =	shalt  }
0x4f: {  	_ =	shalt  }
0x50: {  	_ =	shalt  }
0x51: {  	_ =	shalt  }
0x52: {  	_ =	shalt  }
0x53: {  	_ =	shalt  }
0x54: {  	_ =	shalt  }
0x55: {  	_ =	shalt  }
0x56: {  	_ =	shalt  }
0x57: {  	_ =	shalt  }
0x58: {  	_ =	shalt  }
0x59: {  	_ =	shalt  }
0x5a: {  	_ =	shalt  }
0x5b: {  	_ =	shalt  }
0x5c: {  	_ =	shalt  }
0x5d: {  	_ =	shalt  }
0x5e: {  	_ =	shalt  }
0x5f: {  	_ =	shalt  }
0x60: {  	_ =	shalt  }
0x61: {  	_ =	shalt  }
0x62: {  	_ =	shalt  }
0x63: {  	_ =	shalt  }
0x64: {  	_ =	shalt  }
0x65: {  	_ =	shalt  }
0x66: {  	_ =	shalt  }
0x67: {  	_ =	shalt  }
0x68: {  	_ =	shalt  }
0x69: {  	_ =	shalt  }
0x6a: {  	_ =	shalt  }
0x6b: {  	_ =	shalt  }
0x6c: {  	_ =	shalt  }
0x6d: {  	_ =	shalt  }
0x6e: {  	_ =	shalt  }
0x6f: {  	_ =	shalt  }
0x70: {  	_ =	shalt  }
0x71: {  	_ =	shalt  }
0x72: {  	_ =	shalt  }
0x73: {  	_ =	shalt  }
0x74: {  	_ =	shalt  }
0x75: {  	_ =	shalt  }
0x76: {  	_ =	shalt  }
0x77: {  	_ =	shalt  }
0x78: {  	_ =	shalt  }
0x79: {  	_ =	shalt  }
0x7a: {  	_ =	shalt  }
0x7b: {  	_ =	shalt  }
0x7c: {  	_ =	shalt  }
0x7d: {  	_ =	shalt  }
0x7e: {  	_ =	shalt  }
0x7f: {  	_ =	shalt  }
0x80: {  	_ =	shalt  }
0x81: {  	_ =	shalt  }
0x82: {  	_ =	shalt  }
0x83: {  	_ =	shalt  }
0x84: {  	_ =	shalt  }
0x85: {  	_ =	shalt  }
0x86: {  	_ =	shalt  }
0x87: {  	_ =	shalt  }
.Lfunc_end0:
.L_simem_size_0:
called_computation_lowered:
.L_overlay_start_0:
0x88: {  	s2 =	sld [smem:$0x3FD9]  }
0x89: {  	s3 =	sld [smem:$0x3FFE];
	_ =	sdelay $0x1  }
0x8a: {  	s1 =	srdreg.scid  }
0x8b: {  	s0 =	sand.u32 $0x1, s1  }
0x8c: {  	s18 =	sshll.u32 s0, $0xA;
	s2 =	sadd.s32 s3, s2  }
0x8d: {  	s2 =	sadd.s32 s2, s18  }
0x8e: {  	[smem:$0x3FC7] =	sst s2  }
0x8f: {  	_ = 	snop  }
0x90: {  	s2 =	sld [smem:$0x3FC9]  }
0x91: {  	s19 =	sld [smem:$0x3FD0];
	(tm) =	ssettm $0x1  }
0x92: {  	s4 =	sld [smem:$0x3FFB];
	_ =	sdelay $0x3  }
0x93: {  	_ =	strace s4  }
0x94: {  	s4 =	sld [smem:$0x3FFC];
	_ =	sdelay $0x3  }
0x95: {  	_ =	strace s4  }
0x96: {  	s4 =	sld [smem:$0x3FFD];
	_ =	sdelay $0x3  }
0x97: {  	_ =	strace s4  }
0x98: {  	_ =	strace $0x8FFFFFFF  }
0x99: {  	s20 =	sld [smem:$0x3FDB];
	_ =	sdelay $0x1  }
0x9a: {  	s5 =	simm.s32 $_scs_section_size  }
0x9b: {  	s6 =	simm.s32 $_size__tile_overlayer_lowered;
	s7 =	simm.s32 $_tile_overlayer_lowered  }
0x9c: {  	s23 =	simm.s32 $0x1BFF;
	s22 =	sshll.u32 s7, $0x1;
	s4 =	sadd.s32 s5, s20  }
0x9d: {  	s8 =	simm.s32 $0x0;
	s21 =	sshll.u32 s6, $0x1;
	s6 =	sadd.s32 s22, s4  }
0x9e: {  	[timem:s8], [sflag:s23] =	dma.local [hbm:s6], s21  }
0x9f: {  	_ =	swait.ge [sflag:s23], s21  }
0xa0: {  	s5 =	ssub.s32 $0x0, s21;
	[sflag:s23] =	ssyncset.done $0x0  }
0xa1: {  	[sflag:s23] =	ssyncadd.s32 s5;
	_ =	sdelay $0x1  }
0xa2: {  	s24 =	simm.s32 $0x1B8B  }
0xa3: {  	_ =	swait.ge [sflag:s24], $0x1  }
0xa4: {  	[sflag:s24] =	ssyncset.done $0x0  }
0xa5: {  	s25 =	simm.s32 $0x1B8E;
	[sflag:s24] =	ssyncadd.s32 $0xFFFFFFFF  }
0xa6: {  	s26 =	simm.s32 $execute0_lowered;
	[smem:$0x3FD2] =	sst s25  }
0xa7: {  	s5 =	sshll.u32 s26, $0x1;
	_ =	strace $0x80000046;
	[dreg:$0x1] =	wrdreg $0xFFFFFFFF  }
0xa8: {  	s28 =	simm.s32 $_size_execute0_lowered;
	s4 =	sadd.s32 s4, s5;
	[dreg:$0x0] =	wrdreg $0x0  }
0xa9: {  	s5 =	sshll.u32 s28, $0x1;
	[dreg:$0x2] =	wrdreg s4  }
0xaa: {  	[dreg:$0x3] =	wrdreg s5  }
0xab: {  	[dreg:$0x4] =	wrdreg $0xC0  }
0xac: {  	_ =	task [dreg:s8], $0x5FFFF  }
0xad: {  	[dreg:$0x1] =	wrdreg $0xFFFFFFFF  }
0xae: {  	[dreg:$0x0] =	wrdreg $0x60  }
0xaf: {  	[dreg:$0x2] =	wrdreg s2  }
0xb0: {  	[dreg:$0x3] =	wrdreg s19  }
0xb1: {  	[dreg:$0x4] =	wrdreg $0x9  }
0xb2: {  	_ =	task.clear_ibuf [dreg:s8], $0x5FFFF;
	_ =	strace $0x90000046  }
0xb3: {  	s29 =	simm.s32 $0x9;
	_ =	strace $0x80000048  }
0xb4: {  	_ =	swait.ge [sflag:s29], $0x1  }
0xb5: {  	[sflag:s29] =	ssyncadd.s32 $0xFFFFFFFF  }
0xb6: {  	_ =	strace $0x90000048  }
0xb7: {  	_ =	sfence  }
0xb8: {  	s30 =	sld [smem:$0x0];
	_ =	sdelay $0x2  }
0xb9: {  	s31 =	sshll.u32 s1, $0xD;
	s1 =	sshrl.u32 s1, $0x2  }
0xba: {  	s3 =	sand.u32 $0x4000, s31;
	s1 =	sadd.s32 s1, s30  }
0xbb: {  	s0 =	sor.u32 s3, s0;
	s1 =	sshll.u32 s1, $0x11  }
0xbc: {  	s0 =	sor.u32 s1, s0  }
0xbd: {  	s0 =	sadd.s32 $0x8F2B, s0  }
0xbe: {  	[sflag:s0] =	ssyncadd.remote.s32 $0x1  }
0xbf: {  	_ =	sfence.sel $0xFFFF  }
0xc0: {  	[dreg:$0x0] =	wrdreg $0xFFFFFFFF;
	(pc) =	sbr.abs _section_cstart, $3  }
0xc1: {  	[dreg:$0x1] =	wrdreg $0xFFFFFFFF  }
0xc2: {  	_ =	task.clear_ibuf [dreg:s8], $0x2FFFF;
	_ =	strace $0x9FFFFFFF  }
0xc3: {  	(tm) =	ssettm $0x7FFFFFFF  }
tec
execute0_lowered:
.L_overlay_start_1:
0x0: {  	(tag) =	ssettag $0x1  }
0x1: {  	s5 =	rddreg [dreg:$0x0]  }
0x2: {  	s7 =	rddreg [dreg:$0x1]  }
0x3: {  	s0 =	rddreg [dreg:$0x2]  }
0x4: {  	s3 =	srdreg.scid;
	s1 =	stileid.u32;
	s2 =	simm.s32 $0x0  }
0x5: {  	s11 =	simm.s32 $0x800;
	s12 =	simm.s32 $0x1000;
	s13 =	simm.s32 $0x1  }
0x6: {  	s14 =	simm.s32 $0x2;
	s15 =	simm.s32 $0x4100;
	s16 =	simm.s32 $0x3  }
0x7: {  	s17 =	simm.s32 $0x5180;
	s18 =	simm.s32 $0x4;
	s19 =	simm.s32 $0x5  }
0x8: {  	s20 =	simm.s32 $0x0;
	s3 =	sand.u32 $0x1, s3;
	s4 =	sshll.u32 s1, $0x6  }
0x9: {  	s8 =	sshll.u32 s1, $0xB;
	[smem:$0x7FF] =	sst s2;
	s6 =	sshll.u32 s3, $0x5  }
0xa: {  	s4 =	sand.u32 $0x40, s4;
	s8 =	sand.u32 $0x7000, s8;
	s30 =	ssub.s32 $0x2, s3  }
.Ltmp0:
0xb: {  	s4 =	sor.u32 s6, s4;
	s31 =	sshrl.u32 s30, $0x1;
	(pc) =	sbr.rel .LBB2_1-.Ltmp0, $4  }
0xc: {  	_ =	strace $0x80000047;
	s8 =	sor.u32 s8, s4;
	s10 =	ssub.s32 s30, s31  }
0xd: {  	s3 =	sadd.s32 s5, s8;
	s9 =	sor.u32 $0x10, s8;
	s6 =	sadd.s32 s7, s8  }
0xe: {  	v0 =	vimm.f32 $0.0e+00;
	v1 =	vlaneseq.u32;
	s8 =	smax.u32 s10, $0x1;
	s10 =	simm.s32 $0x400;
	s4 =	sadd.s32 $0x800, s3  }
0xf: {  	v2 =	vimm.f32 $-1.000000020e+30;
	v3 =	vimm.s32 $0x1000;
	v4 =	vimm.s32 $0x0;
	s5 =	sadd.s32 s5, s9;
	s7 =	sadd.s32 s7, s9;
	s9 =	simm.s32 $0x80  }
.LBB2_30:
0x10: {  	_ = 	snop  }
0x11: {  	v5 =	vsub.f32 v7, v5;
	_ =	sdelay $0x1  }
0x12: {  	v5 =	vmax.f32 v5, $0.0e+00  }
0x13: {  	[tilespmem:v6+s17+$0x0] =	vst.idx.msk $0xffff, v5  }
.LBB2_31:
0x14: {  	[hbm4b:s7+s9] =	stream.strided.scatter [tilespmem:s17], [sflag:$0x5], $0x1000, s10, s9, $0x38;
	[tilespmem:$0x6200] =	vst v63  }
0x15: {  	s20 =	sadd.s32 $0x1, s20  }
0x16: {  	_ =	swait.ge [sflag:s18], $0x1000;
	p0 =	sne.s32 s20, s8  }
.Ltmp1:
0x17: {  	[sflag:s18] =	ssyncset.done $0x0;
	(pc) =	sbr.rel @!p0 .LBB2_32-.Ltmp1, $4  }
0x18: {  	[sflag:s18] =	ssyncadd.s32 $0xFFFFF000  }
0x19: {  	_ =	swait.ge [sflag:s19], $0x1000  }
0x1a: {  	[sflag:s19] =	ssyncset.done $0x0  }
0x1b: {  	[sflag:s19] =	ssyncadd.s32 $0xFFFFF000  }
.LBB2_1:
0x1c: {  	[tilespmem:s2], [sflag:$0x1] =	stream.strided.gather [hbm4b:s3+s9], $0x800, s10, s9, $0x38;
	[tilespmem:$0x6200] =	vst v63  }
0x1d: {  	_ = 	snop  }
0x1e: {  	[tilespmem:s11], [sflag:$0x2] =	stream.strided.gather [hbm4b:s4+s9], $0x800, s10, s9, $0x38;
	[tilespmem:$0x6200] =	vst v63  }
0x1f: {  	s21 =	simm.s32 $0x0;
	s22 =	simm.s32 $0x200  }
0x20: {  	[tilespmem:s12], [sflag:$0x3] =	stream.strided.gather [hbm4b:s5+s9], $0x1000, s10, s9, $0x38;
	[tilespmem:$0x6200] =	vst v63  }
.LBB2_2:
0x21: {  	p0 =	sne.s32 s22, $0x3E00;
	[tilespmem:s21+$0x51F0] =	vst v0  }
0x22: {  	[tilespmem:s21+$0x4100] =	vst v0  }
0x23: {  	[tilespmem:s21+$0x5180] =	vst v0  }
0x24: {  	[tilespmem:s21+$0x4110] =	vst v0  }
0x25: {  	[tilespmem:s21+$0x5190] =	vst v0  }
0x26: {  	[tilespmem:s21+$0x4120] =	vst v0  }
0x27: {  	[tilespmem:s21+$0x51A0] =	vst v0  }
0x28: {  	[tilespmem:s21+$0x4130] =	vst v0  }
0x29: {  	[tilespmem:s21+$0x51B0] =	vst v0  }
0x2a: {  	[tilespmem:s21+$0x4140] =	vst v0  }
0x2b: {  	[tilespmem:s21+$0x51C0] =	vst v0  }
.Ltmp2:
0x2c: {  	[tilespmem:s21+$0x4150] =	vst v0;
	(pc) =	sbr.rel @p0 .LBB2_2-.Ltmp2, $4  }
0x2d: {  	[tilespmem:s21+$0x51D0] =	vst v0  }
0x2e: {  	[tilespmem:s21+$0x4160] =	vst v0  }
0x2f: {  	[tilespmem:s21+$0x51E0] =	vst v0  }
0x30: {  	[tilespmem:s21+$0x4170] =	vst v0;
	s21 =	sshra.s32 s22, $0x2;
	s22 =	sadd.s32 $0x200, s22  }
0x31: {  	[tilespmem:s21+$0x51F0] =	vst v0  }
0x32: {  	[tilespmem:s21+$0x4100] =	vst v0  }
0x33: {  	[tilespmem:s21+$0x5180] =	vst v0  }
0x34: {  	[tilespmem:s21+$0x4110] =	vst v0  }
0x35: {  	[tilespmem:s21+$0x5190] =	vst v0  }
0x36: {  	[tilespmem:s21+$0x4120] =	vst v0  }
0x37: {  	[tilespmem:s21+$0x51A0] =	vst v0  }
0x38: {  	[tilespmem:s21+$0x4130] =	vst v0  }
0x39: {  	[tilespmem:s21+$0x51B0] =	vst v0  }
0x3a: {  	[tilespmem:s21+$0x4140] =	vst v0  }
0x3b: {  	[tilespmem:s21+$0x51C0] =	vst v0  }
0x3c: {  	[tilespmem:s21+$0x4150] =	vst v0  }
0x3d: {  	[tilespmem:s21+$0x51D0] =	vst v0  }
0x3e: {  	[tilespmem:s21+$0x4160] =	vst v0  }
0x3f: {  	[tilespmem:s21+$0x51E0] =	vst v0  }
0x40: {  	[tilespmem:s21+$0x4170] =	vst v0  }
0x41: {  	_ =	swait.ge [sflag:s13], $0x800  }
0x42: {  	[sflag:s13] =	ssyncset.done $0x0  }
0x43: {  	s22 =	simm.s32 $0x0;
	[sflag:s13] =	ssyncadd.s32 $0xFFFFF800  }
0x44: {  	v6 =	vld [tilespmem:s22+$0x30]  }
0x45: {  	v5 =	vld [tilespmem:s22+$0x20]  }
0x46: {  	v11 =	vld [tilespmem:s22+$0x10]  }
0x47: {  	v9 =	vld [tilespmem:s22+$0x0]  }
0x48: {  	v12 =	vld [tilespmem:s22+$0x40]  }
0x49: {  	v13 =	vld [tilespmem:s22+$0x50]  }
0x4a: {  	v14 =	vld [tilespmem:s22+$0x60]  }
0x4b: {  	s21 =	simm.s32 $0x80;
	v10 =	vld [tilespmem:s22+$0x70]  }
0x4c: {  	v15 =	vimm.f32 $-1.000000020e+30;
	v7 =	vld [tilespmem:s21+$0x30]  }
0x4d: {  	v8 =	vld [tilespmem:s21+$0x20];
	v16 =	vmax.f32 v15, v9;
	v12 =	vmax.f32 v15, v12  }
0x4e: {  	v9 =	vld [tilespmem:s21+$0x10];
	v15 =	vmax.f32 v16, v11;
	v13 =	vmax.f32 v12, v13  }
0x4f: {  	s22 =	simm.s32 $0x400;
	v11 =	vld [tilespmem:s21+$0x0];
	v12 =	vmax.f32 v15, v5;
	v13 =	vmax.f32 v13, v14  }
.LBB2_4:
0x50: {  	p0 =	sne.s32 s22, $0x1E00;
	v5 =	vld [tilespmem:s21+$0x40];
	v12 =	vmax.f32 v12, v6;
	v13 =	vmax.f32 v13, v10  }
0x51: {  	v14 =	vld [tilespmem:s21+$0x50];
	v6 =	vmov v7  }
0x52: {  	v15 =	vld [tilespmem:s21+$0x60];
	v16 =	vmov v8  }
.Ltmp3:
0x53: {  	v10 =	vld [tilespmem:s21+$0x70];
	s21 =	sshra.s32 s22, $0x2;
	(pc) =	sbr.rel @p0 .LBB2_4-.Ltmp3, $4  }
0x54: {  	v7 =	vld [tilespmem:s21+$0x30]  }
0x55: {  	v11 =	vmax.f32 v12, v11;
	v8 =	vld [tilespmem:s21+$0x20];
	v5 =	vmax.f32 v13, v5  }
0x56: {  	v12 =	vmax.f32 v11, v9;
	v9 =	vld [tilespmem:s21+$0x10];
	v5 =	vmax.f32 v5, v14  }
0x57: {  	s22 =	sadd.s32 $0x200, s22;
	v12 =	vmax.f32 v12, v16;
	v11 =	vld [tilespmem:s21+$0x0];
	v13 =	vmax.f32 v5, v15  }
0x58: {  	v14 =	vld [tilespmem:s21+$0x40]  }
0x59: {  	v15 =	vld [tilespmem:s21+$0x50]  }
0x5a: {  	v16 =	vld [tilespmem:s21+$0x60]  }
0x5b: {  	v17 =	vld [tilespmem:s21+$0x70];
	_ =	swait.ge [sflag:s14], $0x800  }
0x5c: {  	[sflag:s14] =	ssyncset.done $0x0  }
0x5d: {  	s22 =	simm.s32 $0x0;
	[sflag:s14] =	ssyncadd.s32 $0xFFFFF800  }
0x5e: {  	v5 =	vld [tilespmem:s22+$0x830]  }
0x5f: {  	v18 =	vld [tilespmem:s22+$0x820]  }
0x60: {  	v19 =	vld [tilespmem:s22+$0x810]  }
0x61: {  	v20 =	vld [tilespmem:s22+$0x800]  }
0x62: {  	v6 =	vmax.f32 v12, v6;
	v10 =	vmax.f32 v13, v10;
	v12 =	vld [tilespmem:s22+$0x840]  }
0x63: {  	v6 =	vmax.f32 v6, v11;
	v11 =	vld [tilespmem:s22+$0x850];
	v10 =	vmax.f32 v10, v14  }
0x64: {  	v13 =	vld [tilespmem:s22+$0x860];
	v6 =	vmax.f32 v6, v9;
	v9 =	vmax.f32 v10, v15  }
0x65: {  	s21 =	simm.s32 $0x80;
	v6 =	vmax.f32 v6, v8;
	v8 =	vmax.f32 v9, v16;
	v9 =	vld [tilespmem:s22+$0x870]  }
0x66: {  	v7 =	vmax.f32 v6, v7;
	v6 =	vld [tilespmem:s21+$0x830];
	v10 =	vmax.f32 v8, v17  }
0x67: {  	v8 =	vld [tilespmem:s21+$0x820];
	v14 =	vmax.f32 v7, v20;
	v10 =	vmax.f32 v10, v12  }
0x68: {  	v7 =	vld [tilespmem:s21+$0x810];
	v12 =	vmax.f32 v14, v19;
	v14 =	vmax.f32 v10, v11  }
0x69: {  	s22 =	simm.s32 $0x400;
	v10 =	vld [tilespmem:s21+$0x800];
	v11 =	vmax.f32 v12, v18;
	v12 =	vmax.f32 v14, v13  }
.LBB2_6:
0x6a: {  	p0 =	sne.s32 s22, $0x1E00;
	v13 =	vld [tilespmem:s21+$0x840];
	v11 =	vmax.f32 v11, v5;
	v12 =	vmax.f32 v12, v9  }
0x6b: {  	v14 =	vld [tilespmem:s21+$0x850];
	v5 =	vmov v6  }
0x6c: {  	v15 =	vld [tilespmem:s21+$0x860];
	v16 =	vmov v8  }
.Ltmp4:
0x6d: {  	v9 =	vld [tilespmem:s21+$0x870];
	s21 =	sshra.s32 s22, $0x2;
	(pc) =	sbr.rel @p0 .LBB2_6-.Ltmp4, $4  }
0x6e: {  	v6 =	vld [tilespmem:s21+$0x830]  }
0x6f: {  	v10 =	vmax.f32 v11, v10;
	v8 =	vld [tilespmem:s21+$0x820];
	v11 =	vmax.f32 v12, v13  }
0x70: {  	v12 =	vmax.f32 v10, v7;
	v7 =	vld [tilespmem:s21+$0x810];
	v13 =	vmax.f32 v11, v14  }
0x71: {  	s22 =	sadd.s32 $0x200, s22;
	v11 =	vmax.f32 v12, v16;
	v10 =	vld [tilespmem:s21+$0x800];
	v12 =	vmax.f32 v13, v15  }
0x72: {  	v13 =	vld [tilespmem:s21+$0x840]  }
0x73: {  	v14 =	vld [tilespmem:s21+$0x850]  }
0x74: {  	v15 =	vld [tilespmem:s21+$0x860]  }
0x75: {  	v16 =	vld [tilespmem:s21+$0x870]  }
0x76: {  	v5 =	vmax.f32 v11, v5;
	v9 =	vmax.f32 v12, v9  }
0x77: {  	v5 =	vmax.f32 v5, v10;
	v9 =	vmax.f32 v9, v13  }
0x78: {  	v5 =	vmax.f32 v5, v7;
	v7 =	vmax.f32 v9, v14  }
0x79: {  	v5 =	vmax.f32 v5, v8;
	v7 =	vmax.f32 v7, v15  }
0x7a: {  	v5 =	vmax.f32 v5, v6;
	v6 =	vmax.f32 v7, v16  }
0x7b: {  	v5 =	vmax.f32 v5, v6  }
0x7c: {  	(xrf0) =	vmax.scan.msk.f32 $0xffff, v5;
	_ =	sdelay $0x2  }
0x7d: {  	s21 =	simm.s32 $0x40  }
0x7e: {  	v6 =	vld [tilespmem:s21+$0xFFFFFFC0];
	_ =	sdelay $0x1  }
0x7f: {  	v7 =	vld [tilespmem:s21+$0xFFFFFFD0];
	v5, _, _ =	vpop (xrf0)  }
0x80: {  	v5 =	vbroadcast v5, $0xF  }
0x81: {  	v8 =	vld [tilespmem:s21+$0xFFFFFFE0]  }
0x82: {  	v6 =	vsub.f32 v6, v5  }
0x83: {  	v51 =	vld [tilespmem:s21+$0xFFFFFFF0]  }
0x84: {  	v7 =	vsub.f32 v7, v5;
	vm7 =	vgt.f32 v6, $-1.000000000e+00  }
0x85: {  	v52 =	vld [tilespmem:s21+$0x0];
	v53 =	vmpcnt.ones.xlane vm7  }
0x86: {  	v8 =	vsub.f32 v8, v5;
	vm6 =	vgt.f32 v7, $-1.000000000e+00  }
0x87: {  	v54 =	vld [tilespmem:s21+$0x10];
	v55 =	vmpcnt.ones.xlane vm6;
	(v2sf) =	vpush v53, $0x0  }
0x88: {  	v9 =	vsub.f32 v51, v5;
	vm4 =	vgt.f32 v8, $-1.000000000e+00  }
0x89: {  	v56 =	vld [tilespmem:s21+$0x20];
	v57 =	vmpcnt.ones.xlane vm4;
	(v2sf) =	vpush v55, $0x0  }
0x8a: {  	v58 =	vld [tilespmem:s21+$0x30];
	v10 =	vsub.f32 v52, v5;
	vm5 =	vgt.f32 v9, $-1.000000000e+00  }
0x8b: {  	v59 =	vmpcnt.ones.xlane vm5;
	(v2sf) =	vpush v57, $0x0  }
0x8c: {  	v12 =	vsub.f32 v54, v5;
	vm3 =	vgt.f32 v10, $-1.000000000e+00  }
0x8d: {  	v60 =	vmpcnt.ones.xlane vm3;
	(v2sf) =	vpush v59, $0x0  }
0x8e: {  	v11 =	vsub.f32 v56, v5;
	vm2 =	vgt.f32 v12, $-1.000000000e+00  }
0x8f: {  	v13 =	vsub.f32 v58, v5;
	v61 =	vmpcnt.ones.xlane vm2;
	(v2sf) =	vpush v60, $0x0  }
0x90: {  	vm1 =	vgt.f32 v11, $-1.000000000e+00  }
0x91: {  	vm0 =	vgt.f32 v13, $-1.000000000e+00;
	v62 =	vmpcnt.ones.xlane vm1;
	(v2sf) =	vpush v61, $0x0  }
0x92: {  	v63 =	vmpcnt.ones.xlane vm0  }
0x93: {  	(v2sf) =	vpush v62, $0x0  }
0x94: {  	(v2sf) =	vpush v63, $0x0  }
0x95: {  	s22 =	simm.s32 $0x0;
	s23 =	simm.s32 $0x0  }
0x96: {  	[tilespmem:s22+$0x2000] =	vst.msk vm7, v6;
	v6 =	vor.u32 s23, v1;
	s31 =	spop (v2sf)  }
0x97: {  	s24 =	simm.s32 $0x10;
	[tilespmem:s22+$0x3080] =	vst.msk vm7, v6;
	s23 =	sadd.s32 $0x0, s31  }
0x98: {  	v6 =	vor.u32 s24, v1;
	s25 =	spop (v2sf);
	[tilespmem:s23+$0x2000] =	vst.msk vm6, v7  }
0x99: {  	s26 =	simm.s32 $0x20;
	s22 =	sadd.s32 s25, s23;
	[tilespmem:s23+$0x3080] =	vst.msk vm6, v6  }
0x9a: {  	s28 =	spop (v2sf);
	v6 =	vor.u32 s26, v1;
	[tilespmem:s22+$0x2000] =	vst.msk vm4, v8  }
0x9b: {  	s29 =	simm.s32 $0x30;
	s23 =	sadd.s32 s28, s22;
	[tilespmem:s22+$0x3080] =	vst.msk vm4, v6  }
0x9c: {  	s30 =	spop (v2sf);
	v6 =	vor.u32 s29, v1;
	[tilespmem:s23+$0x2000] =	vst.msk vm5, v9  }
0x9d: {  	s31 =	simm.s32 $0x40;
	s22 =	sadd.s32 s30, s23;
	[tilespmem:s23+$0x3080] =	vst.msk vm5, v6  }
0x9e: {  	s25 =	spop (v2sf);
	v6 =	vor.u32 s31, v1;
	[tilespmem:s22+$0x2000] =	vst.msk vm3, v10  }
0x9f: {  	s26 =	simm.s32 $0x50;
	s23 =	sadd.s32 s25, s22;
	[tilespmem:s22+$0x3080] =	vst.msk vm3, v6  }
0xa0: {  	s28 =	spop (v2sf);
	v6 =	vor.u32 s26, v1;
	[tilespmem:s23+$0x2000] =	vst.msk vm2, v12  }
0xa1: {  	s29 =	simm.s32 $0x60;
	s22 =	sadd.s32 s28, s23;
	[tilespmem:s23+$0x3080] =	vst.msk vm2, v6  }
0xa2: {  	s30 =	spop (v2sf);
	v6 =	vor.u32 s29, v1;
	[tilespmem:s22+$0x2000] =	vst.msk vm1, v11  }
0xa3: {  	s31 =	spop (v2sf);
	s26 =	simm.s32 $0x70;
	s25 =	sadd.s32 s30, s22;
	[tilespmem:s22+$0x3080] =	vst.msk vm1, v6  }
0xa4: {  	s24 =	sadd.s32 s31, s25;
	s22 =	simm.s32 $0xF0;
	v6 =	vor.u32 s26, v1;
	[tilespmem:s25+$0x2000] =	vst.msk vm0, v13  }
.LBB2_8:
0xa5: {  	p0 =	sne.s32 s22, $0xFF0  }
0xa6: {  	[tilespmem:s25+$0x3080] =	vst.msk vm0, v6;
	s21 =	sadd.s32 $0x80, s21;
	s23 =	smov.u32 s22;
	s22 =	sadd.s32 $0x80, s22  }
0xa7: {  	v6 =	vld [tilespmem:s21+$0xFFFFFFC0];
	_ =	sdelay $0x1  }
0xa8: {  	v7 =	vld [tilespmem:s21+$0xFFFFFFD0];
	_ =	sdelay $0x1  }
0xa9: {  	v8 =	vld [tilespmem:s21+$0xFFFFFFE0]  }
0xaa: {  	v6 =	vsub.f32 v6, v5  }
0xab: {  	v9 =	vld [tilespmem:s21+$0xFFFFFFF0]  }
0xac: {  	v7 =	vsub.f32 v7, v5;
	vm7 =	vgt.f32 v6, $-1.000000000e+00  }
0xad: {  	v10 =	vld [tilespmem:s21+$0x0];
	v11 =	vmpcnt.ones.xlane vm7  }
0xae: {  	v8 =	vsub.f32 v8, v5;
	vm6 =	vgt.f32 v7, $-1.000000000e+00  }
0xaf: {  	v12 =	vld [tilespmem:s21+$0x10];
	v13 =	vmpcnt.ones.xlane vm6;
	(v2sf) =	vpush v11, $0x0  }
0xb0: {  	v9 =	vsub.f32 v9, v5;
	vm4 =	vgt.f32 v8, $-1.000000000e+00  }
0xb1: {  	v11 =	vld [tilespmem:s21+$0x20];
	v14 =	vmpcnt.ones.xlane vm4;
	(v2sf) =	vpush v13, $0x0  }
0xb2: {  	v10 =	vsub.f32 v10, v5;
	v13 =	vld [tilespmem:s21+$0x30];
	vm5 =	vgt.f32 v9, $-1.000000000e+00  }
0xb3: {  	v15 =	vmpcnt.ones.xlane vm5;
	(v2sf) =	vpush v14, $0x0  }
0xb4: {  	v12 =	vsub.f32 v12, v5;
	vm3 =	vgt.f32 v10, $-1.000000000e+00  }
0xb5: {  	v14 =	vmpcnt.ones.xlane vm3;
	(v2sf) =	vpush v15, $0x0  }
0xb6: {  	v11 =	vsub.f32 v11, v5;
	vm2 =	vgt.f32 v12, $-1.000000000e+00  }
0xb7: {  	v13 =	vsub.f32 v13, v5;
	v15 =	vmpcnt.ones.xlane vm2;
	(v2sf) =	vpush v14, $0x0  }
0xb8: {  	vm1 =	vgt.f32 v11, $-1.000000000e+00  }
0xb9: {  	vm0 =	vgt.f32 v13, $-1.000000000e+00;
	v14 =	vmpcnt.ones.xlane vm1;
	(v2sf) =	vpush v15, $0x0  }
0xba: {  	v15 =	vmpcnt.ones.xlane vm0  }
0xbb: {  	(v2sf) =	vpush v14, $0x0  }
0xbc: {  	(v2sf) =	vpush v15, $0x0  }
0xbd: {  	s25 =	sadd.s32 $0xFFFFFF90, s23  }
0xbe: {  	[tilespmem:s24+$0x2000] =	vst.msk vm7, v6;
	v6 =	vor.u32 s25, v1;
	s25 =	spop (v2sf)  }
0xbf: {  	s26 =	sadd.s32 $0xFFFFFFA0, s23;
	s25 =	sadd.s32 s24, s25;
	[tilespmem:s24+$0x3080] =	vst.msk vm7, v6  }
0xc0: {  	v6 =	vor.u32 s26, v1;
	[tilespmem:s25+$0x2000] =	vst.msk vm6, v7;
	s24 =	spop (v2sf)  }
0xc1: {  	s26 =	sadd.s32 $0xFFFFFFB0, s23;
	s24 =	sadd.s32 s24, s25;
	[tilespmem:s25+$0x3080] =	vst.msk vm6, v6  }
0xc2: {  	v6 =	vor.u32 s26, v1;
	[tilespmem:s24+$0x2000] =	vst.msk vm4, v8;
	s25 =	spop (v2sf)  }
0xc3: {  	s26 =	sadd.s32 $0xFFFFFFC0, s23;
	s25 =	sadd.s32 s25, s24;
	[tilespmem:s24+$0x3080] =	vst.msk vm4, v6  }
0xc4: {  	v6 =	vor.u32 s26, v1;
	[tilespmem:s25+$0x2000] =	vst.msk vm5, v9;
	s24 =	spop (v2sf)  }
0xc5: {  	s26 =	sadd.s32 $0xFFFFFFD0, s23;
	s24 =	sadd.s32 s24, s25;
	[tilespmem:s25+$0x3080] =	vst.msk vm5, v6  }
0xc6: {  	v6 =	vor.u32 s26, v1;
	[tilespmem:s24+$0x2000] =	vst.msk vm3, v10;
	s25 =	spop (v2sf)  }
0xc7: {  	s26 =	sadd.s32 $0xFFFFFFE0, s23;
	s25 =	sadd.s32 s25, s24;
	[tilespmem:s24+$0x3080] =	vst.msk vm3, v6  }
.Ltmp5:
0xc8: {  	v6 =	vor.u32 s26, v1;
	[tilespmem:s25+$0x2000] =	vst.msk vm2, v12;
	s24 =	spop (v2sf);
	(pc) =	sbr.rel @p0 .LBB2_8-.Ltmp5, $4  }
0xc9: {  	s26 =	sadd.s32 $0xFFFFFFF0, s23;
	s24 =	sadd.s32 s24, s25;
	[tilespmem:s25+$0x3080] =	vst.msk vm2, v6  }
0xca: {  	v6 =	vor.u32 s26, v1;
	[tilespmem:s24+$0x2000] =	vst.msk vm1, v11;
	s25 =	spop (v2sf)  }
0xcb: {  	s25 =	sadd.s32 s25, s24;
	[tilespmem:s24+$0x3080] =	vst.msk vm1, v6;
	s24 =	spop (v2sf)  }
0xcc: {  	v6 =	vor.u32 s23, v1;
	s24 =	sadd.s32 s24, s25;
	[tilespmem:s25+$0x2000] =	vst.msk vm0, v13  }
0xcd: {  	s21 =	sadd.s32 $0xF, s24  }
0xce: {  	s21 =	sshrl.u32 s21, $0x4  }
0xcf: {  	p0 =	seq.s32 s21, $0x0  }
.Ltmp6:
0xd0: {  	_ = 	snop;
	(pc) =	sbr.rel @p0 .LBB2_13-.Ltmp6, $4  }
0xd1: {  	_ = 	snop  }
0xd2: {  	[tilespmem:s25+$0x3080] =	vst.msk vm0, v6  }
0xd3: {  	[tilespmem:s24+$0x2000] =	vst v2  }
0xd4: {  	s23 =	simm.s32 $0x2000;
	v5 =	vimm.s32 $0x0;
	v6 =	vimm.f32 $0.0e+00;
	[tilespmem:s24+$0x3080] =	vst v3  }
0xd5: {  	v7 =	vld [tilespmem:s23+$0x0];
	p1 =	sne.s32 s21, $0x1  }
.Ltmp7:
0xd6: {  	_ = 	snop;
	(pc) =	sbr.rel @!p1 .LBB2_12-.Ltmp7, $2  }
0xd7: {  	_ =	sdelay $0x2  }
0xd8: {  	s22 =	sadd.s32 $0xFFFFFFFF, s21;
	s23 =	sadd.s32 $0x10, s23;
	vm0 =	vgt.f32 v7, $-1.000000000e+00  }
.LBB2_11:
0xd9: {  	p1 =	sne.s32 s22, $0x1;
	s22 =	sadd.s32 $0xFFFFFFFF, s22;
	v8 =	vnsel vm0, $0x0, v7;
	v7 =	vld [tilespmem:s23+$0x0];
	v9 =	vsel vm0, $0x1, v4  }
.Ltmp8:
0xda: {  	v6 =	vadd.f32 v8, v6;
	v5 =	vadd.s32 v9, v5;
	(pc) =	sbr.rel @p1 .LBB2_11-.Ltmp8, $2  }
0xdb: {  	_ =	sdelay $0x2  }
0xdc: {  	s23 =	sadd.s32 $0x10, s23;
	vm0 =	vgt.f32 v7, $-1.000000000e+00  }
.LBB2_12:
0xdd: {  	v7 =	vnsel vm0, $0x0, v7;
	v8 =	vsel vm0, $0x1, v4  }
0xde: {  	v6 =	vadd.f32 v7, v6;
	v5 =	vadd.s32 v8, v5  }
.LBB2_13:
0xdf: {  	_ = 	snop  }
0xe0: {  	(xrf2) =	vadd.scan.msk.f32 $0xffff, v6  }
0xe1: {  	(xrf0) =	vadd.scan.msk.s32 $0xffff, v5;
	_ =	sdelay $0x5  }
0xe2: {  	v5, _, _ =	vpop (xrf0)  }
0xe3: {  	(v2sf) =	vpush v5, $0xF;
	_ =	sdelay $0x1  }
0xe4: {  	v6, _, _ =	vpop (xrf2)  }
0xe5: {  	(v2sf) =	vpush v6, $0xF;
	_ =	sdelay $0x3  }
0xe6: {  	v5 =	vcvt.s32.f32 v5;
	_ =	sdelay $0x1  }
0xe7: {  	v5 =	vbroadcast v5, $0xF;
	_ =	sdelay $0x1  }
0xe8: {  	(erf) = vrcp.f32 v5;
	_ =	sdelay $0x3  }
0xe9: {  	s22 =	spop (v2sf)  }
0xea: {  	p1 =	sne.s32 s22, $0xFFFFFFFF  }
.Ltmp9:
0xeb: {  	_ = 	snop;
	(pc) =	sbr.rel @p1 .LBB2_33-.Ltmp9, $4  }
0xec: {  	s23 =	spop (v2sf)  }
0xed: {  	s23 =	sadd.f32 $-1.000000000e+00, s23  }
0xee: {  	v5 =	vpop (erf)  }
0xef: {  	v5 =	vmul.f32 s23, v5  }
.LBB2_14:
.Ltmp10:
0xf0: {  	(pc) =	sbr.rel @p0 .LBB2_18-.Ltmp10, $1  }
0xf1: {  	_ =	sdelay $0x3  }
0xf2: {  	p0 =	sne.s32 s21, $0x1  }
.Ltmp11:
0xf3: {  	_ = 	snop;
	(pc) =	sbr.rel @!p0 .LBB2_17-.Ltmp11, $4  }
0xf4: {  	_ = 	snop  }
0xf5: {  	s23 =	simm.s32 $0x3080  }
0xf6: {  	s22 =	simm.s32 $0x2000;
	v6 =	vld [tilespmem:s23+$0x0]  }
0xf7: {  	s21 =	sadd.s32 $0xFFFFFFFF, s21;
	v7 =	vld [tilespmem:s22+$0x0]  }
.LBB2_16:
0xf8: {  	p0 =	sne.s32 s21, $0x1;
	_ =	sdelay $0x3  }
0xf9: {  	v7 =	vsub.f32 v7, v5  }
.Ltmp12:
0xfa: {  	(pc) =	sbr.rel @p0 .LBB2_16-.Ltmp12, $4  }
0xfb: {  	v7 =	vmax.f32 v7, $0.0e+00  }
0xfc: {  	s23 =	sadd.s32 $0x10, s23;
	[tilespmem:v6+s15+$0x0] =	vst.idx.msk $0xffff, v7  }
0xfd: {  	s22 =	sadd.s32 $0x10, s22;
	v6 =	vld [tilespmem:s23+$0x0]  }
0xfe: {  	s21 =	sadd.s32 $0xFFFFFFFF, s21;
	v7 =	vld [tilespmem:s22+$0x0]  }
.LBB2_17:
0xff: {  	_ =	sdelay $0x3  }
0x100: {  	v5 =	vsub.f32 v7, v5;
	_ =	sdelay $0x1  }
0x101: {  	v5 =	vmax.f32 v5, $0.0e+00  }
0x102: {  	[tilespmem:v6+s15+$0x0] =	vst.idx.msk $0xffff, v5  }
.LBB2_18:
0x103: {  	[hbm4b:s6+s9] =	stream.strided.scatter [tilespmem:s15], [sflag:$0x4], $0x1000, s10, s9, $0x38;
	[tilespmem:$0x6200] =	vst v63  }
0x104: {  	_ =	swait.ge [sflag:s16], $0x1000  }
0x105: {  	[sflag:s16] =	ssyncset.done $0x0  }
0x106: {  	s22 =	simm.s32 $0x0;
	[sflag:s16] =	ssyncadd.s32 $0xFFFFF000  }
0x107: {  	v5 =	vld [tilespmem:s22+$0x1030]  }
0x108: {  	v11 =	vld [tilespmem:s22+$0x1020]  }
0x109: {  	v10 =	vld [tilespmem:s22+$0x1010]  }
0x10a: {  	v7 =	vld [tilespmem:s22+$0x1000]  }
0x10b: {  	v12 =	vld [tilespmem:s22+$0x1040]  }
0x10c: {  	v13 =	vld [tilespmem:s22+$0x1050]  }
0x10d: {  	v14 =	vld [tilespmem:s22+$0x1060]  }
0x10e: {  	s21 =	simm.s32 $0x80;
	v9 =	vld [tilespmem:s22+$0x1070]  }
0x10f: {  	v15 =	vimm.f32 $-1.000000020e+30;
	v6 =	vld [tilespmem:s21+$0x1030]  }
0x110: {  	v8 =	vld [tilespmem:s21+$0x1020];
	v16 =	vmax.f32 v15, v7;
	v12 =	vmax.f32 v15, v12  }
0x111: {  	v7 =	vld [tilespmem:s21+$0x1010];
	v15 =	vmax.f32 v16, v10;
	v12 =	vmax.f32 v12, v13  }
0x112: {  	s22 =	simm.s32 $0x400;
	v10 =	vld [tilespmem:s21+$0x1000];
	v11 =	vmax.f32 v15, v11;
	v12 =	vmax.f32 v12, v14  }
.LBB2_19:
0x113: {  	p0 =	sne.s32 s22, $0x3E00;
	v13 =	vld [tilespmem:s21+$0x1040];
	v11 =	vmax.f32 v11, v5;
	v12 =	vmax.f32 v12, v9  }
0x114: {  	v14 =	vld [tilespmem:s21+$0x1050];
	v5 =	vmov v6  }
0x115: {  	v15 =	vld [tilespmem:s21+$0x1060];
	v16 =	vmov v8  }
.Ltmp13:
0x116: {  	v9 =	vld [tilespmem:s21+$0x1070];
	s21 =	sshra.s32 s22, $0x2;
	(pc) =	sbr.rel @p0 .LBB2_19-.Ltmp13, $4  }
0x117: {  	v6 =	vld [tilespmem:s21+$0x1030]  }
0x118: {  	v10 =	vmax.f32 v11, v10;
	v8 =	vld [tilespmem:s21+$0x1020];
	v11 =	vmax.f32 v12, v13  }
0x119: {  	v12 =	vmax.f32 v10, v7;
	v7 =	vld [tilespmem:s21+$0x1010];
	v13 =	vmax.f32 v11, v14  }
0x11a: {  	s22 =	sadd.s32 $0x200, s22;
	v11 =	vmax.f32 v12, v16;
	v10 =	vld [tilespmem:s21+$0x1000];
	v12 =	vmax.f32 v13, v15  }
0x11b: {  	v13 =	vld [tilespmem:s21+$0x1040]  }
0x11c: {  	v14 =	vld [tilespmem:s21+$0x1050]  }
0x11d: {  	v15 =	vld [tilespmem:s21+$0x1060]  }
0x11e: {  	v16 =	vld [tilespmem:s21+$0x1070]  }
0x11f: {  	v5 =	vmax.f32 v11, v5;
	v9 =	vmax.f32 v12, v9  }
0x120: {  	v5 =	vmax.f32 v5, v10;
	v9 =	vmax.f32 v9, v13  }
0x121: {  	v5 =	vmax.f32 v5, v7;
	v7 =	vmax.f32 v9, v14  }
0x122: {  	v5 =	vmax.f32 v5, v8;
	v7 =	vmax.f32 v7, v15  }
0x123: {  	v5 =	vmax.f32 v5, v6;
	v6 =	vmax.f32 v7, v16  }
0x124: {  	v5 =	vmax.f32 v5, v6  }
0x125: {  	(xrf0) =	vmax.scan.msk.f32 $0xffff, v5;
	_ =	sdelay $0x2  }
0x126: {  	s21 =	simm.s32 $0x1040  }
0x127: {  	v6 =	vld [tilespmem:s21+$0xFFFFFFC0];
	_ =	sdelay $0x1  }
0x128: {  	v7 =	vld [tilespmem:s21+$0xFFFFFFD0];
	v5, _, _ =	vpop (xrf0)  }
0x129: {  	v5 =	vbroadcast v5, $0xF  }
0x12a: {  	v8 =	vld [tilespmem:s21+$0xFFFFFFE0]  }
0x12b: {  	v6 =	vsub.f32 v6, v5  }
0x12c: {  	v51 =	vld [tilespmem:s21+$0xFFFFFFF0]  }
0x12d: {  	v7 =	vsub.f32 v7, v5;
	vm7 =	vgt.f32 v6, $-1.000000000e+00  }
0x12e: {  	v52 =	vld [tilespmem:s21+$0x0];
	v53 =	vmpcnt.ones.xlane vm7  }
0x12f: {  	v8 =	vsub.f32 v8, v5;
	vm6 =	vgt.f32 v7, $-1.000000000e+00  }
0x130: {  	v54 =	vld [tilespmem:s21+$0x10];
	v55 =	vmpcnt.ones.xlane vm6;
	(v2sf) =	vpush v53, $0x0  }
0x131: {  	v9 =	vsub.f32 v51, v5;
	vm4 =	vgt.f32 v8, $-1.000000000e+00  }
0x132: {  	v56 =	vld [tilespmem:s21+$0x20];
	v57 =	vmpcnt.ones.xlane vm4;
	(v2sf) =	vpush v55, $0x0  }
0x133: {  	v58 =	vld [tilespmem:s21+$0x30];
	v10 =	vsub.f32 v52, v5;
	vm5 =	vgt.f32 v9, $-1.000000000e+00  }
0x134: {  	v59 =	vmpcnt.ones.xlane vm5;
	(v2sf) =	vpush v57, $0x0  }
0x135: {  	v12 =	vsub.f32 v54, v5;
	vm3 =	vgt.f32 v10, $-1.000000000e+00  }
0x136: {  	v60 =	vmpcnt.ones.xlane vm3;
	(v2sf) =	vpush v59, $0x0  }
0x137: {  	v11 =	vsub.f32 v56, v5;
	vm2 =	vgt.f32 v12, $-1.000000000e+00  }
0x138: {  	v13 =	vsub.f32 v58, v5;
	v61 =	vmpcnt.ones.xlane vm2;
	(v2sf) =	vpush v60, $0x0  }
0x139: {  	vm1 =	vgt.f32 v11, $-1.000000000e+00  }
0x13a: {  	vm0 =	vgt.f32 v13, $-1.000000000e+00;
	v62 =	vmpcnt.ones.xlane vm1;
	(v2sf) =	vpush v61, $0x0  }
0x13b: {  	v63 =	vmpcnt.ones.xlane vm0  }
0x13c: {  	(v2sf) =	vpush v62, $0x0  }
0x13d: {  	(v2sf) =	vpush v63, $0x0  }
0x13e: {  	s22 =	simm.s32 $0x0;
	s23 =	simm.s32 $0x0  }
0x13f: {  	[tilespmem:s22+$0x2000] =	vst.msk vm7, v6;
	v6 =	vor.u32 s23, v1;
	s31 =	spop (v2sf)  }
0x140: {  	s24 =	simm.s32 $0x10;
	[tilespmem:s22+$0x3080] =	vst.msk vm7, v6;
	s23 =	sadd.s32 $0x0, s31  }
0x141: {  	v6 =	vor.u32 s24, v1;
	s25 =	spop (v2sf);
	[tilespmem:s23+$0x2000] =	vst.msk vm6, v7  }
0x142: {  	s26 =	simm.s32 $0x20;
	s22 =	sadd.s32 s25, s23;
	[tilespmem:s23+$0x3080] =	vst.msk vm6, v6  }
0x143: {  	s28 =	spop (v2sf);
	v6 =	vor.u32 s26, v1;
	[tilespmem:s22+$0x2000] =	vst.msk vm4, v8  }
0x144: {  	s29 =	simm.s32 $0x30;
	s23 =	sadd.s32 s28, s22;
	[tilespmem:s22+$0x3080] =	vst.msk vm4, v6  }
0x145: {  	s30 =	spop (v2sf);
	v6 =	vor.u32 s29, v1;
	[tilespmem:s23+$0x2000] =	vst.msk vm5, v9  }
0x146: {  	s31 =	simm.s32 $0x40;
	s22 =	sadd.s32 s30, s23;
	[tilespmem:s23+$0x3080] =	vst.msk vm5, v6  }
0x147: {  	s25 =	spop (v2sf);
	v6 =	vor.u32 s31, v1;
	[tilespmem:s22+$0x2000] =	vst.msk vm3, v10  }
0x148: {  	s26 =	simm.s32 $0x50;
	s23 =	sadd.s32 s25, s22;
	[tilespmem:s22+$0x3080] =	vst.msk vm3, v6  }
0x149: {  	s28 =	spop (v2sf);
	v6 =	vor.u32 s26, v1;
	[tilespmem:s23+$0x2000] =	vst.msk vm2, v12  }
0x14a: {  	s29 =	simm.s32 $0x60;
	s22 =	sadd.s32 s28, s23;
	[tilespmem:s23+$0x3080] =	vst.msk vm2, v6  }
0x14b: {  	s30 =	spop (v2sf);
	v6 =	vor.u32 s29, v1;
	[tilespmem:s22+$0x2000] =	vst.msk vm1, v11  }
0x14c: {  	s31 =	spop (v2sf);
	s26 =	simm.s32 $0x70;
	s25 =	sadd.s32 s30, s22;
	[tilespmem:s22+$0x3080] =	vst.msk vm1, v6  }
0x14d: {  	s24 =	sadd.s32 s31, s25;
	s22 =	simm.s32 $0xF0;
	v6 =	vor.u32 s26, v1;
	[tilespmem:s25+$0x2000] =	vst.msk vm0, v13  }
.LBB2_21:
0x14e: {  	p0 =	sne.s32 s22, $0xFF0  }
0x14f: {  	[tilespmem:s25+$0x3080] =	vst.msk vm0, v6;
	s21 =	sadd.s32 $0x80, s21;
	s23 =	smov.u32 s22;
	s22 =	sadd.s32 $0x80, s22  }
0x150: {  	v6 =	vld [tilespmem:s21+$0xFFFFFFC0];
	_ =	sdelay $0x1  }
0x151: {  	v7 =	vld [tilespmem:s21+$0xFFFFFFD0];
	_ =	sdelay $0x1  }
0x152: {  	v8 =	vld [tilespmem:s21+$0xFFFFFFE0]  }
0x153: {  	v6 =	vsub.f32 v6, v5  }
0x154: {  	v9 =	vld [tilespmem:s21+$0xFFFFFFF0]  }
0x155: {  	v7 =	vsub.f32 v7, v5;
	vm7 =	vgt.f32 v6, $-1.000000000e+00  }
0x156: {  	v10 =	vld [tilespmem:s21+$0x0];
	v11 =	vmpcnt.ones.xlane vm7  }
0x157: {  	v8 =	vsub.f32 v8, v5;
	vm6 =	vgt.f32 v7, $-1.000000000e+00  }
0x158: {  	v12 =	vld [tilespmem:s21+$0x10];
	v13 =	vmpcnt.ones.xlane vm6;
	(v2sf) =	vpush v11, $0x0  }
0x159: {  	v9 =	vsub.f32 v9, v5;
	vm4 =	vgt.f32 v8, $-1.000000000e+00  }
0x15a: {  	v11 =	vld [tilespmem:s21+$0x20];
	v14 =	vmpcnt.ones.xlane vm4;
	(v2sf) =	vpush v13, $0x0  }
0x15b: {  	v10 =	vsub.f32 v10, v5;
	v13 =	vld [tilespmem:s21+$0x30];
	vm5 =	vgt.f32 v9, $-1.000000000e+00  }
0x15c: {  	v15 =	vmpcnt.ones.xlane vm5;
	(v2sf) =	vpush v14, $0x0  }
0x15d: {  	v12 =	vsub.f32 v12, v5;
	vm3 =	vgt.f32 v10, $-1.000000000e+00  }
0x15e: {  	v14 =	vmpcnt.ones.xlane vm3;
	(v2sf) =	vpush v15, $0x0  }
0x15f: {  	v11 =	vsub.f32 v11, v5;
	vm2 =	vgt.f32 v12, $-1.000000000e+00  }
0x160: {  	v13 =	vsub.f32 v13, v5;
	v15 =	vmpcnt.ones.xlane vm2;
	(v2sf) =	vpush v14, $0x0  }
0x161: {  	vm1 =	vgt.f32 v11, $-1.000000000e+00  }
0x162: {  	vm0 =	vgt.f32 v13, $-1.000000000e+00;
	v14 =	vmpcnt.ones.xlane vm1;
	(v2sf) =	vpush v15, $0x0  }
0x163: {  	v15 =	vmpcnt.ones.xlane vm0  }
0x164: {  	(v2sf) =	vpush v14, $0x0  }
0x165: {  	(v2sf) =	vpush v15, $0x0  }
0x166: {  	s25 =	sadd.s32 $0xFFFFFF90, s23  }
0x167: {  	[tilespmem:s24+$0x2000] =	vst.msk vm7, v6;
	v6 =	vor.u32 s25, v1;
	s25 =	spop (v2sf)  }
0x168: {  	s26 =	sadd.s32 $0xFFFFFFA0, s23;
	s25 =	sadd.s32 s24, s25;
	[tilespmem:s24+$0x3080] =	vst.msk vm7, v6  }
0x169: {  	v6 =	vor.u32 s26, v1;
	[tilespmem:s25+$0x2000] =	vst.msk vm6, v7;
	s24 =	spop (v2sf)  }
0x16a: {  	s26 =	sadd.s32 $0xFFFFFFB0, s23;
	s24 =	sadd.s32 s24, s25;
	[tilespmem:s25+$0x3080] =	vst.msk vm6, v6  }
0x16b: {  	v6 =	vor.u32 s26, v1;
	[tilespmem:s24+$0x2000] =	vst.msk vm4, v8;
	s25 =	spop (v2sf)  }
0x16c: {  	s26 =	sadd.s32 $0xFFFFFFC0, s23;
	s25 =	sadd.s32 s25, s24;
	[tilespmem:s24+$0x3080] =	vst.msk vm4, v6  }
0x16d: {  	v6 =	vor.u32 s26, v1;
	[tilespmem:s25+$0x2000] =	vst.msk vm5, v9;
	s24 =	spop (v2sf)  }
0x16e: {  	s26 =	sadd.s32 $0xFFFFFFD0, s23;
	s24 =	sadd.s32 s24, s25;
	[tilespmem:s25+$0x3080] =	vst.msk vm5, v6  }
0x16f: {  	v6 =	vor.u32 s26, v1;
	[tilespmem:s24+$0x2000] =	vst.msk vm3, v10;
	s25 =	spop (v2sf)  }
0x170: {  	s26 =	sadd.s32 $0xFFFFFFE0, s23;
	s25 =	sadd.s32 s25, s24;
	[tilespmem:s24+$0x3080] =	vst.msk vm3, v6  }
.Ltmp14:
0x171: {  	v6 =	vor.u32 s26, v1;
	[tilespmem:s25+$0x2000] =	vst.msk vm2, v12;
	s24 =	spop (v2sf);
	(pc) =	sbr.rel @p0 .LBB2_21-.Ltmp14, $4  }
0x172: {  	s26 =	sadd.s32 $0xFFFFFFF0, s23;
	s24 =	sadd.s32 s24, s25;
	[tilespmem:s25+$0x3080] =	vst.msk vm2, v6  }
0x173: {  	v6 =	vor.u32 s26, v1;
	[tilespmem:s24+$0x2000] =	vst.msk vm1, v11;
	s25 =	spop (v2sf)  }
0x174: {  	s25 =	sadd.s32 s25, s24;
	[tilespmem:s24+$0x3080] =	vst.msk vm1, v6;
	s24 =	spop (v2sf)  }
0x175: {  	v6 =	vor.u32 s23, v1;
	s24 =	sadd.s32 s24, s25;
	[tilespmem:s25+$0x2000] =	vst.msk vm0, v13  }
0x176: {  	s21 =	sadd.s32 $0xF, s24  }
0x177: {  	s21 =	sshrl.u32 s21, $0x4  }
0x178: {  	p0 =	seq.s32 s21, $0x0  }
.Ltmp15:
0x179: {  	_ = 	snop;
	(pc) =	sbr.rel @p0 .LBB2_26-.Ltmp15, $4  }
0x17a: {  	_ = 	snop  }
0x17b: {  	[tilespmem:s25+$0x3080] =	vst.msk vm0, v6  }
0x17c: {  	[tilespmem:s24+$0x2000] =	vst v2  }
0x17d: {  	s23 =	simm.s32 $0x2000;
	v5 =	vimm.s32 $0x0;
	v6 =	vimm.f32 $0.0e+00;
	[tilespmem:s24+$0x3080] =	vst v3  }
0x17e: {  	v7 =	vld [tilespmem:s23+$0x0];
	p1 =	sne.s32 s21, $0x1  }
.Ltmp16:
0x17f: {  	_ = 	snop;
	(pc) =	sbr.rel @!p1 .LBB2_25-.Ltmp16, $2  }
0x180: {  	_ =	sdelay $0x2  }
0x181: {  	s22 =	sadd.s32 $0xFFFFFFFF, s21;
	s23 =	sadd.s32 $0x10, s23;
	vm0 =	vgt.f32 v7, $-1.000000000e+00  }
.LBB2_24:
0x182: {  	p1 =	sne.s32 s22, $0x1;
	s22 =	sadd.s32 $0xFFFFFFFF, s22;
	v8 =	vnsel vm0, $0x0, v7;
	v7 =	vld [tilespmem:s23+$0x0];
	v9 =	vsel vm0, $0x1, v4  }
.Ltmp17:
0x183: {  	v6 =	vadd.f32 v8, v6;
	v5 =	vadd.s32 v9, v5;
	(pc) =	sbr.rel @p1 .LBB2_24-.Ltmp17, $2  }
0x184: {  	_ =	sdelay $0x2  }
0x185: {  	s23 =	sadd.s32 $0x10, s23;
	vm0 =	vgt.f32 v7, $-1.000000000e+00  }
.LBB2_25:
0x186: {  	v7 =	vnsel vm0, $0x0, v7;
	v8 =	vsel vm0, $0x1, v4  }
0x187: {  	v6 =	vadd.f32 v7, v6;
	v5 =	vadd.s32 v8, v5  }
.LBB2_26:
0x188: {  	_ = 	snop  }
0x189: {  	(xrf2) =	vadd.scan.msk.f32 $0xffff, v6  }
0x18a: {  	(xrf0) =	vadd.scan.msk.s32 $0xffff, v5;
	_ =	sdelay $0x5  }
0x18b: {  	v5, _, _ =	vpop (xrf0)  }
0x18c: {  	(v2sf) =	vpush v5, $0xF;
	_ =	sdelay $0x1  }
0x18d: {  	v6, _, _ =	vpop (xrf2)  }
0x18e: {  	(v2sf) =	vpush v6, $0xF;
	_ =	sdelay $0x3  }
0x18f: {  	v5 =	vcvt.s32.f32 v5;
	_ =	sdelay $0x1  }
0x190: {  	v5 =	vbroadcast v5, $0xF;
	_ =	sdelay $0x1  }
0x191: {  	(erf) = vrcp.f32 v5;
	_ =	sdelay $0x3  }
0x192: {  	s22 =	spop (v2sf)  }
0x193: {  	p1 =	sne.s32 s22, $0xFFFFFFFF  }
.Ltmp18:
0x194: {  	_ = 	snop;
	(pc) =	sbr.rel @p1 .LBB2_38-.Ltmp18, $4  }
0x195: {  	s23 =	spop (v2sf)  }
0x196: {  	s23 =	sadd.f32 $-1.000000000e+00, s23  }
0x197: {  	v5 =	vpop (erf)  }
0x198: {  	v5 =	vmul.f32 s23, v5  }
.LBB2_27:
.Ltmp19:
0x199: {  	(pc) =	sbr.rel @p0 .LBB2_31-.Ltmp19, $1  }
0x19a: {  	_ =	sdelay $0x3  }
0x19b: {  	s23 =	simm.s32 $0x3080;
	p0 =	sne.s32 s21, $0x1  }
.Ltmp20:
0x19c: {  	s22 =	simm.s32 $0x2000;
	v6 =	vld [tilespmem:s23+$0x0];
	(pc) =	sbr.rel @!p0 .LBB2_30-.Ltmp20, $2  }
0x19d: {  	v7 =	vld [tilespmem:s22+$0x0];
	_ =	sdelay $0x2  }
0x19e: {  	s21 =	sadd.s32 $0xFFFFFFFF, s21  }
.LBB2_29:
0x19f: {  	p0 =	sne.s32 s21, $0x1;
	_ =	sdelay $0x3  }
0x1a0: {  	v7 =	vsub.f32 v7, v5  }
.Ltmp21:
0x1a1: {  	(pc) =	sbr.rel @p0 .LBB2_29-.Ltmp21, $4  }
0x1a2: {  	v7 =	vmax.f32 v7, $0.0e+00  }
0x1a3: {  	s23 =	sadd.s32 $0x10, s23;
	[tilespmem:v6+s17+$0x0] =	vst.idx.msk $0xffff, v7  }
0x1a4: {  	s22 =	sadd.s32 $0x10, s22;
	v6 =	vld [tilespmem:s23+$0x0]  }
0x1a5: {  	s21 =	sadd.s32 $0xFFFFFFFF, s21;
	v7 =	vld [tilespmem:s22+$0x0]  }
.Ltmp22:
0x1a6: {  	_ = 	snop;
	(pc) =	sbr.rel .LBB2_30-.Ltmp22, $1  }
0x1a7: {  	_ =	sdelay $0x3  }
.LBB2_36:
0x1a8: {  	v5 =	vnsel vm0, $0x0, v8;
	v8 =	vsel vm0, $0x1, v4  }
0x1a9: {  	v7 =	vadd.f32 v5, v7;
	v6 =	vadd.s32 v8, v6  }
.LBB2_37:
0x1aa: {  	_ = 	snop  }
0x1ab: {  	(xrf2) =	vadd.scan.msk.f32 $0xffff, v7  }
0x1ac: {  	(xrf0) =	vadd.scan.msk.s32 $0xffff, v6;
	_ =	sdelay $0x5  }
0x1ad: {  	v5, _, _ =	vpop (xrf0)  }
0x1ae: {  	(v2sf) =	vpush v5, $0xF;
	_ =	sdelay $0x1  }
0x1af: {  	v6, _, _ =	vpop (xrf2)  }
0x1b0: {  	(v2sf) =	vpush v6, $0xF;
	_ =	sdelay $0x3  }
0x1b1: {  	v5 =	vcvt.s32.f32 v5;
	_ =	sdelay $0x1  }
0x1b2: {  	v5 =	vbroadcast v5, $0xF;
	_ =	sdelay $0x1  }
0x1b3: {  	(erf) = vrcp.f32 v5;
	_ =	sdelay $0x3  }
0x1b4: {  	s23 =	spop (v2sf)  }
0x1b5: {  	p1 =	seq.s32 s23, s22  }
.Ltmp23:
0x1b6: {  	_ = 	snop;
	(pc) =	sbr.rel @p1 .LBB2_14-.Ltmp23, $4  }
0x1b7: {  	s24 =	spop (v2sf)  }
0x1b8: {  	s24 =	sadd.f32 $-1.000000000e+00, s24  }
0x1b9: {  	v5 =	vpop (erf)  }
0x1ba: {  	s22 =	smov.u32 s23;
	v5 =	vmul.f32 s24, v5  }
.LBB2_33:
.Ltmp24:
0x1bb: {  	(pc) =	sbr.rel @p0 .LBB2_37-.Ltmp24, $2  }
0x1bc: {  	_ =	sdelay $0x2  }
0x1bd: {  	s24 =	simm.s32 $0x2000;
	v6 =	vimm.s32 $0x0;
	v7 =	vimm.f32 $0.0e+00  }
0x1be: {  	v8 =	vld [tilespmem:s24+$0x0];
	p1 =	sne.s32 s21, $0x1  }
.Ltmp25:
0x1bf: {  	_ = 	snop;
	(pc) =	sbr.rel @!p1 .LBB2_36-.Ltmp25, $2  }
0x1c0: {  	_ =	sdelay $0x2  }
0x1c1: {  	s23 =	sadd.s32 $0xFFFFFFFF, s21;
	s24 =	sadd.s32 $0x10, s24;
	vm0 =	vgt.f32 v8, v5  }
.LBB2_35:
0x1c2: {  	p1 =	sne.s32 s23, $0x1;
	s23 =	sadd.s32 $0xFFFFFFFF, s23;
	v9 =	vnsel vm0, $0x0, v8;
	v8 =	vld [tilespmem:s24+$0x0];
	v10 =	vsel vm0, $0x1, v4  }
.Ltmp26:
0x1c3: {  	v7 =	vadd.f32 v9, v7;
	v6 =	vadd.s32 v10, v6;
	(pc) =	sbr.rel @p1 .LBB2_35-.Ltmp26, $2  }
0x1c4: {  	_ =	sdelay $0x2  }
0x1c5: {  	s24 =	sadd.s32 $0x10, s24;
	vm0 =	vgt.f32 v8, v5  }
.Ltmp27:
0x1c6: {  	_ = 	snop;
	(pc) =	sbr.rel .LBB2_36-.Ltmp27, $1  }
0x1c7: {  	_ =	sdelay $0x3  }
.LBB2_41:
0x1c8: {  	v5 =	vnsel vm0, $0x0, v8;
	v8 =	vsel vm0, $0x1, v4  }
0x1c9: {  	v7 =	vadd.f32 v5, v7;
	v6 =	vadd.s32 v8, v6  }
.LBB2_42:
0x1ca: {  	_ = 	snop  }
0x1cb: {  	(xrf2) =	vadd.scan.msk.f32 $0xffff, v7  }
0x1cc: {  	(xrf0) =	vadd.scan.msk.s32 $0xffff, v6;
	_ =	sdelay $0x5  }
0x1cd: {  	v5, _, _ =	vpop (xrf0)  }
0x1ce: {  	(v2sf) =	vpush v5, $0xF;
	_ =	sdelay $0x1  }
0x1cf: {  	v6, _, _ =	vpop (xrf2)  }
0x1d0: {  	(v2sf) =	vpush v6, $0xF;
	_ =	sdelay $0x3  }
0x1d1: {  	v5 =	vcvt.s32.f32 v5;
	_ =	sdelay $0x1  }
0x1d2: {  	v5 =	vbroadcast v5, $0xF;
	_ =	sdelay $0x1  }
0x1d3: {  	(erf) = vrcp.f32 v5;
	_ =	sdelay $0x3  }
0x1d4: {  	s23 =	spop (v2sf)  }
0x1d5: {  	p1 =	seq.s32 s23, s22  }
.Ltmp28:
0x1d6: {  	_ = 	snop;
	(pc) =	sbr.rel @p1 .LBB2_27-.Ltmp28, $4  }
0x1d7: {  	s24 =	spop (v2sf)  }
0x1d8: {  	s24 =	sadd.f32 $-1.000000000e+00, s24  }
0x1d9: {  	v5 =	vpop (erf)  }
0x1da: {  	s22 =	smov.u32 s23;
	v5 =	vmul.f32 s24, v5  }
.LBB2_38:
.Ltmp29:
0x1db: {  	(pc) =	sbr.rel @p0 .LBB2_42-.Ltmp29, $2  }
0x1dc: {  	_ =	sdelay $0x2  }
0x1dd: {  	s24 =	simm.s32 $0x2000;
	v6 =	vimm.s32 $0x0;
	v7 =	vimm.f32 $0.0e+00  }
0x1de: {  	v8 =	vld [tilespmem:s24+$0x0];
	p1 =	sne.s32 s21, $0x1  }
.Ltmp30:
0x1df: {  	_ = 	snop;
	(pc) =	sbr.rel @!p1 .LBB2_41-.Ltmp30, $2  }
0x1e0: {  	_ =	sdelay $0x2  }
0x1e1: {  	s23 =	sadd.s32 $0xFFFFFFFF, s21;
	s24 =	sadd.s32 $0x10, s24;
	vm0 =	vgt.f32 v8, v5  }
.LBB2_40:
0x1e2: {  	p1 =	sne.s32 s23, $0x1;
	s23 =	sadd.s32 $0xFFFFFFFF, s23;
	v9 =	vnsel vm0, $0x0, v8;
	v8 =	vld [tilespmem:s24+$0x0];
	v10 =	vsel vm0, $0x1, v4  }
.Ltmp31:
0x1e3: {  	v7 =	vadd.f32 v9, v7;
	v6 =	vadd.s32 v10, v6;
	(pc) =	sbr.rel @p1 .LBB2_40-.Ltmp31, $2  }
0x1e4: {  	_ =	sdelay $0x2  }
0x1e5: {  	s24 =	sadd.s32 $0x10, s24;
	vm0 =	vgt.f32 v8, v5  }
.Ltmp32:
0x1e6: {  	_ = 	snop;
	(pc) =	sbr.rel .LBB2_41-.Ltmp32, $1  }
0x1e7: {  	_ =	sdelay $0x3  }
.LBB2_32:
0x1e8: {  	_ =	sfence.sel $0x180000  }
0x1e9: {  	[bflag:$0x0] =	sbarrier.arrive $0xFFFF  }
0x1ea: {  	p0 =	sne.s32 s1, $0x0;
	_ =	strace $0x90000047  }
0x1eb: {  	s0 =	sadd.s32 @!p0 $0x100000, s0;
	[bflag:$0x2] =	sbarrier.arrive $0xFFFF  }
0x1ec: {  	[sflag:s0] =	ssyncadd.tile.s32 @!p0 $0x1;
	_ =	shalt  }
.Lfunc_end2:
_tile_overlayer_lowered:
.L_overlay_start_2:
0x1ed: {  	(tag) =	ssettag $0x2  }
0x1ee: {  	s0 =	rddreg [dreg:$0x0];
	s2 =	stileid.u32  }
0x1ef: {  	s1 =	rddreg [dreg:$0x1];
	p0 =	sne.s32 s2, $0x0  }
0x1f0: {  	s3 =	rddreg [dreg:$0x2];
	[bflag:$0x3] =	sbarrier.arrive $0xFFFF;
	s2 =	simm.s32 @!p0 $0x1C06  }
0x1f1: {  	[timem:s3], [sflag:s2] =	dma.local @!p0 [hbm:s0], s1  }
0x1f2: {  	s0 =	simm.s32 @!p0 $0x6  }
0x1f3: {  	_ =	swait.ge @!p0 [sflag:s0], s1  }
0x1f4: {  	s1 =	ssub.s32 @!p0 $0x0, s1;
	[sflag:s0] =	ssyncset.done @!p0 $0x0  }
0x1f5: {  	[sflag:s0] =	ssyncadd.s32 @!p0 s1  }
0x1f6: {  	[bflag:$0x3] =	sbarrier.arrive $0xFFFF  }
0x1f7: {  	_ =	shalt  }

</sc_bundles>
